<compile_context>
chip_gen: v7x
topology: tpu7x:2x2x1
jax: 0.10.2.dev20260603
libtpu: 0.0.44.dev20260713+nightly
codegen_flags: <defaults>
</compile_context>

<pallas_src>
import functools

import jax
import jax.numpy as jnp
from jax import lax
from jax.experimental import pallas as pl
from jax.experimental.pallas import tpu as pltpu
from jax.experimental.pallas import tpu_sc as plsc

N = 10000
N_PAD = 10240
E = 160000
D = 128
DE = 16
H = 4
HID = 128
HW = H * HID
TE = 640
TN = 400
GCHUNK = 80
SCHUNK = 40
ZCH = 128


def _build_gather():
    info = plsc.get_sparse_core_info()
    nc, ns = info.num_cores, info.num_subcores
    nw = nc * ns
    per_w = (2 * E) // nw
    iters = per_w // GCHUNK
    mesh = plsc.VectorSubcoreMesh(core_axis_name="c", subcore_axis_name="s")

    @functools.partial(
        pl.kernel,
        mesh=mesh,
        out_type=jax.ShapeDtypeStruct((2 * E, D), jnp.float32),
        scratch_types=[
            pltpu.VMEM((GCHUNK,), jnp.int32),
            pltpu.VMEM((GCHUNK, D), jnp.float32),
            pltpu.SemaphoreType.DMA,
        ],
    )
    def gather_k(x_hbm, idx_hbm, out_hbm, idx_v, rows_v, sem):
        wid = lax.axis_index("s") * nc + lax.axis_index("c")
        base0 = wid * per_w

        def body(j, _):
            base = base0 + j * GCHUNK
            pltpu.sync_copy(idx_hbm.at[pl.ds(base, GCHUNK)], idx_v)
            pltpu.async_copy(x_hbm.at[idx_v], rows_v, sem).wait()
            pltpu.sync_copy(rows_v, out_hbm.at[pl.ds(base, GCHUNK)])
            return 0

        lax.fori_loop(0, iters, body, 0)

    return gather_k


_gather = _build_gather()


def _edge_body(ni_ref, nj_ref, ea_ref, wni_ref, wnj_ref, we_ref, ap_ref,
               wmt_ref, wmb_ref, bh_ref, bm_ref, wmsg_ref, ex_ref):
    ni = ni_ref[...]
    nj = nj_ref[...]
    ea = ea_ref[...]
    hid = jnp.dot(ni, wni_ref[...], preferred_element_type=jnp.float32)
    hid = hid + jnp.dot(nj, wnj_ref[...], preferred_element_type=jnp.float32)
    hid = hid + jnp.dot(ea, we_ref[...], preferred_element_type=jnp.float32)
    hid = hid + bh_ref[...]
    hid = jnp.where(hid >= 0.0, hid, 0.2 * hid)
    msg = jnp.dot(nj, wmt_ref[...], preferred_element_type=jnp.float32)
    msg = msg + jnp.dot(ea, wmb_ref[...], preferred_element_type=jnp.float32)
    msg = msg + bm_ref[...]
    ap = ap_ref[...]
    wparts = []
    for h in range(H):
        lh = jnp.sum(hid[:, h * HID:(h + 1) * HID] * ap[h, :][None, :],
                     axis=1, keepdims=True)
        eh = jnp.exp(jnp.minimum(lh, 80.0))
        ex_ref[:, h:h + 1] = eh
        wparts.append(msg[:, h * 32:(h + 1) * 32]
                      * jnp.broadcast_to(eh, (TE, 32)))
    ex_ref[:, H:] = jnp.zeros((TE, D - H), jnp.float32)
    wmsg_ref[...] = jnp.concatenate(wparts, axis=1)


def _edge_call(gathered, edge_attr, W_ni, W_nj, W_e, attn_pad, W_msg_t,
               W_msg_b, b_hid, b_msg):
    nb = E // TE
    return pl.pallas_call(
        _edge_body,
        grid=(nb,),
        in_specs=[
            pl.BlockSpec((TE, D), lambda i: (i, 0)),
            pl.BlockSpec((TE, D), lambda i: (i + nb, 0)),
            pl.BlockSpec((TE, DE), lambda i: (i, 0)),
            pl.BlockSpec((D, HW), lambda i: (0, 0)),
            pl.BlockSpec((D, HW), lambda i: (0, 0)),
            pl.BlockSpec((DE, HW), lambda i: (0, 0)),
            pl.BlockSpec((8, HID), lambda i: (0, 0)),
            pl.BlockSpec((D, D), lambda i: (0, 0)),
            pl.BlockSpec((DE, D), lambda i: (0, 0)),
            pl.BlockSpec((1, HW), lambda i: (0, 0)),
            pl.BlockSpec((1, D), lambda i: (0, 0)),
        ],
        out_specs=[
            pl.BlockSpec((TE, D), lambda i: (i, 0)),
            pl.BlockSpec((TE, D), lambda i: (i, 0)),
        ],
        out_shape=[
            jax.ShapeDtypeStruct((E, D), jnp.float32),
            jax.ShapeDtypeStruct((E, D), jnp.float32),
        ],
    )(gathered, gathered, edge_attr, W_ni, W_nj, W_e, attn_pad, W_msg_t,
      W_msg_b, b_hid, b_msg)


def _build_scatter(width):
    info = plsc.get_sparse_core_info()
    nc, ns = info.num_cores, info.num_subcores
    nw = nc * ns
    per_w = E // nw
    iters = per_w // SCHUNK
    rows_per_tile = N_PAD // ns
    zit = rows_per_tile // ZCH
    mesh = plsc.VectorSubcoreMesh(core_axis_name="c", subcore_axis_name="s")

    @functools.partial(
        pl.kernel,
        mesh=mesh,
        out_type=jax.ShapeDtypeStruct((nc, N_PAD, width), jnp.float32),
        scratch_types=[
            pltpu.VMEM_SHARED((N_PAD, width), jnp.float32),
            pltpu.VMEM((SCHUNK, width), jnp.float32),
            pltpu.VMEM((SCHUNK,), jnp.int32),
            pltpu.VMEM((ZCH, width), jnp.float32),
        ],
    )
    def scatter_k(val_hbm, dst_hbm, out_hbm, tbl, vv, dv, zb):
        cid = lax.axis_index("c")
        sid = lax.axis_index("s")
        wid = sid * nc + cid
        zero16 = jnp.zeros((16,), jnp.float32)
        vpr = width // 16

        def zrow(i, _):
            zb[i // vpr, pl.ds((i % vpr) * 16, 16)] = zero16
            return 0

        lax.fori_loop(0, ZCH * vpr, zrow, 0)

        def zslice(k, _):
            r0 = sid * rows_per_tile + k * ZCH
            pltpu.sync_copy(zb, tbl.at[pl.ds(r0, ZCH)])
            return 0

        lax.fori_loop(0, zit, zslice, 0)
        plsc.subcore_barrier()

        def ebody(j, _):
            ebase = wid * per_w + j * SCHUNK
            pltpu.sync_copy(val_hbm.at[pl.ds(ebase, SCHUNK)], vv)
            pltpu.sync_copy(dst_hbm.at[pl.ds(ebase, SCHUNK)], dv)
            pltpu.sync_copy(vv, tbl.at[dv], add=True)
            return 0

        lax.fori_loop(0, iters, ebody, 0)
        plsc.subcore_barrier()

        def rback(k, _):
            r0 = sid * rows_per_tile + k * ZCH
            pltpu.sync_copy(tbl.at[pl.ds(r0, ZCH)], zb)
            pltpu.sync_copy(zb, out_hbm.at[cid].at[pl.ds(r0, ZCH)])
            return 0

        lax.fori_loop(0, zit, rback, 0)

    return scatter_k


_scatter_agg = _build_scatter(D)


def _final_body(ta_ref, td_ref, wout_ref, bout_ref, out_ref):
    ta = ta_ref[...]
    td = td_ref[...]
    sa = ta[0] + ta[1]
    sd = td[0] + td[1]
    parts = []
    for h in range(H):
        a = sa[:, h * 32:(h + 1) * 32]
        d = sd[:, h:h + 1] + 1e-16
        parts.append(a / d)
    nrm = jnp.concatenate(parts, axis=1)
    out_ref[...] = (jnp.dot(nrm, wout_ref[...],
                            preferred_element_type=jnp.float32)
                    + bout_ref[...])


def _final_call(tabs_a, tabs_d, W_out, b_out):
    return pl.pallas_call(
        _final_body,
        grid=(N // TN,),
        in_specs=[
            pl.BlockSpec((2, TN, D), lambda i: (0, i, 0)),
            pl.BlockSpec((2, TN, D), lambda i: (0, i, 0)),
            pl.BlockSpec((D, D), lambda i: (0, 0)),
            pl.BlockSpec((1, D), lambda i: (0, 0)),
        ],
        out_specs=pl.BlockSpec((TN, D), lambda i: (i, 0)),
        out_shape=jax.ShapeDtypeStruct((N, D), jnp.float32),
    )(tabs_a, tabs_d, W_out, b_out)


@jax.jit
def kernel(x, edge_index, edge_attr, W_ni, b_ni, W_nj, b_nj, W_e, b_e,
           attn_proj, W_msg, b_msg, W_out, b_out):
    idx = edge_index.reshape(2 * E)
    dst = edge_index[0]
    gathered = _gather(x, idx)
    attn_pad = jnp.zeros((8, HID), jnp.float32).at[:H].set(attn_proj)
    b_hid = (b_ni + b_nj + b_e).reshape(1, HW)
    wmsg, ex = _edge_call(gathered, edge_attr, W_ni, W_nj, W_e, attn_pad,
                          W_msg[:D], W_msg[D:], b_hid, b_msg.reshape(1, D))
    tabs_a = _scatter_agg(wmsg, dst)
    tabs_d = _scatter_agg(ex, dst)
    return _final_call(tabs_a, tabs_d, W_out, b_out.reshape(1, D))

# --- scband reference (transcript-rebuilt; emitter-appended) ---
"""Pipeline reference for scband-graph-attention-76261439308077 (READ-ONLY COPY).

The authoritative reference and input builder live on the scoring server;
editing this copy changes nothing except your own understanding.
"""

import jax, jax.numpy as jnp
import numpy as np

N = 10000
E = 160000
D = 128      # node_dim
DE = 16      # edge_dim
H = 4        # num_heads
HID = D      # hidden_dim = node_dim
SLOPE = 0.2


def setup_inputs(seed: int = 0) -> dict:
    key = jax.random.key(seed)
    ks = jax.random.split(key, 16)
    inp = {}
    inp["x"] = jax.random.normal(ks[0], (N, D), dtype=jnp.float32)
    inp["edge_index"] = jax.random.randint(ks[1], (2, E), 0, N, dtype=jnp.int32)
    inp["edge_attr"] = jax.random.normal(ks[2], (E, DE), dtype=jnp.float32)
    s = 1.0 / np.sqrt(D)
    inp["W_ni"] = jax.random.normal(ks[3], (D, HID * H), dtype=jnp.float32) * s
    inp["b_ni"] = jnp.zeros((HID * H,), dtype=jnp.float32)
    inp["W_nj"] = jax.random.normal(ks[4], (D, HID * H), dtype=jnp.float32) * s
    inp["b_nj"] = jnp.zeros((HID * H,), dtype=jnp.float32)
    inp["W_e"] = jax.random.normal(ks[5], (DE, HID * H), dtype=jnp.float32) * (1.0 / np.sqrt(DE))
    inp["b_e"] = jnp.zeros((HID * H,), dtype=jnp.float32)
    inp["attn_proj"] = jax.random.normal(ks[6], (H, HID), dtype=jnp.float32)
    inp["W_msg"] = jax.random.normal(ks[7], (D + DE, D), dtype=jnp.float32) * (1.0 / np.sqrt(D + DE))
    inp["b_msg"] = jnp.zeros((D,), dtype=jnp.float32)
    inp["W_out"] = jax.random.normal(ks[8], (D, D), dtype=jnp.float32) * s
    inp["b_out"] = jnp.zeros((D,), dtype=jnp.float32)
    return inp


def _segment_softmax(logits, seg, num_segments):
    mx = jax.ops.segment_max(logits, seg, num_segments=num_segments)
    mx = jnp.where(jnp.isfinite(mx), mx, 0.0)
    ex = jnp.exp(logits - mx[seg])
    denom = jax.ops.segment_sum(ex, seg, num_segments=num_segments)
    return ex / (denom[seg] + 1e-16)


def reference(x, edge_index, edge_attr, W_ni, b_ni, W_nj, b_nj, W_e, b_e, attn_proj, W_msg, b_msg, W_out, b_out):
    dst = edge_index[0]
    src = edge_index[1]
    ni = x[dst]
    nj = x[src]
    hidden = ni @ W_ni + b_ni + nj @ W_nj + b_nj + edge_attr @ W_e + b_e
    hidden = jnp.where(hidden >= 0, hidden, SLOPE * hidden)  # LeakyReLU
    hidden = hidden.reshape(-1, H, HID)
    attn_logits = (hidden * attn_proj).sum(axis=-1)  # [E, H]
    attn_scores = _segment_softmax(attn_logits, dst, N)  # scatter_softmax over dst
    messages = jnp.concatenate([nj, edge_attr], axis=-1) @ W_msg + b_msg  # [E, D]
    messages = messages.reshape(-1, H, D // H)
    messages = messages * attn_scores[..., None]
    agg = jax.ops.segment_sum(messages, dst, num_segments=N)  # scatter_sum
    agg = agg.reshape(N, H * (D // H))
    out = agg @ W_out + b_out
    return out

if __name__ == "__main__":
    import jax
    _d = setup_inputs()
    print(jax.jit(kernel)(*tuple(_d.values())))

</pallas_src>

<mosaic_0001>
#map = affine_map<(d0, d1) -> (0, 0)>
#map1 = affine_map<(d0, d1) -> (0)>
module attributes {stable_mosaic.version = 14 : i64} {
  func.func @gather_k(%arg0: i32, %arg1: i32, %arg2: memref<10000x128xf32, #tpu.memory_space<hbm>>, %arg3: memref<320000xi32, #tpu.memory_space<hbm>>, %arg4: memref<320000x128xf32, #tpu.memory_space<hbm>>, %arg5: memref<80xi32, #tpu.memory_space<vmem>>, %arg6: memref<80x128xf32, #tpu.memory_space<vmem>>, %arg7: memref<!tpu.dma_semaphore, #tpu.memory_space<semaphore_mem>>) attributes {dimension_semantics = [#tpu.dimension_semantics<core_parallel>, #tpu.dimension_semantics<subcore_parallel>], iteration_bounds = array<i64: 2, 16>, scalar_prefetch = 0 : i64, scratch_operands = 3 : i64, tpu.core_type = #tpu.core_type<sc_vector_subcore>, window_params = [{transform_indices = #map}, {transform_indices = #map1}, {transform_indices = #map}]} {
    %mul3A = arith.constant 2 : i32
    %mul3A_0 = arith.muli %arg1, %mul3A : i32
    %add3A = arith.addi %mul3A_0, %arg0 : i32
    %mul3A_1 = arith.constant 10000 : i32
    %mul3A_2 = arith.muli %add3A, %mul3A_1 : i32
    %scan3A = arith.constant 0 : i32
    %scan3A_3 = arith.constant 0 : i32
    %scan3A_4 = arith.constant 125 : i32
    %scan3A_5 = arith.addi %scan3A_3, %scan3A_4 : i32
    %scan3A_6 = arith.constant 1 : i32
    %scan3A_7 = scf.for %scan3A_9 = %scan3A_3 to %scan3A_5 step %scan3A_6 iter_args(%scan3A_10 = %scan3A) -> (i32)  : i32 {
      %mul3A_11 = arith.constant 80 : i32
      %mul3A_12 = arith.muli %scan3A_9, %mul3A_11 : i32
      %add3A_13 = arith.addi %mul3A_2, %mul3A_12 : i32
      "tpu.region"() ({
        %run_scoped3A = tpu.sem_alloc : memref<!tpu.dma_semaphore, #tpu.memory_space<semaphore_mem>>
        %dma_start3A_19 = tpu.memref_slice %arg3[%add3A_13] : memref<320000xi32, #tpu.memory_space<hbm>> -> memref<80xi32, #tpu.memory_space<hbm>>
        %dma_start3A_20 = tpu.memref_slice %arg3[%add3A_13] : memref<320000xi32, #tpu.memory_space<hbm>> -> memref<80xi32, #tpu.memory_space<hbm>>
        tpu.enqueue_dma source(%dma_start3A_20 : memref<80xi32, #tpu.memory_space<hbm>>) target(%arg5 : memref<80xi32, #tpu.memory_space<vmem>>) target_semaphore(%run_scoped3A : memref<!tpu.dma_semaphore, #tpu.memory_space<semaphore_mem>>)
        %dma_wait3A_21 = tpu.memref_slice %arg3[%add3A_13] : memref<320000xi32, #tpu.memory_space<hbm>> -> memref<80xi32, #tpu.memory_space<hbm>>
        %dma_wait3A_22 = tpu.memref_slice %arg3[%add3A_13] : memref<320000xi32, #tpu.memory_space<hbm>> -> memref<80xi32, #tpu.memory_space<hbm>>
        tpu.wait_dma2 semaphore(%run_scoped3A : memref<!tpu.dma_semaphore, #tpu.memory_space<semaphore_mem>>) src(%dma_wait3A_22 : memref<80xi32, #tpu.memory_space<hbm>>) dst(%arg5 : memref<80xi32, #tpu.memory_space<vmem>>)
        tpu.yield
      }) : () -> ()
      %dma_start3A = arith.constant 0 : i32
      %dma_start3A_14 = arith.constant 0 : i32
      %dma_start3A_15 = tpu.memref_slice %arg2[%dma_start3A, %dma_start3A_14] : memref<10000x128xf32, #tpu.memory_space<hbm>> -> memref<10000x128xf32, #tpu.memory_space<hbm>>
      tpu.enqueue_indirect_dma source(%dma_start3A_15 : memref<10000x128xf32, #tpu.memory_space<hbm>>) target(%arg6 : memref<80x128xf32, #tpu.memory_space<vmem>>) offsets(%arg5 : memref<80xi32, #tpu.memory_space<vmem>>) semaphore(%arg7 : memref<!tpu.dma_semaphore, #tpu.memory_space<semaphore_mem>>)
      %dma_wait3A = arith.constant 0 : i32
      %dma_wait3A_16 = arith.constant 0 : i32
      %dma_wait3A_17 = tpu.memref_slice %arg2[%dma_wait3A, %dma_wait3A_16] : memref<10000x128xf32, #tpu.memory_space<hbm>> -> memref<10000x128xf32, #tpu.memory_space<hbm>>
      tpu.wait_indirect_dma semaphore(%arg7 : memref<!tpu.dma_semaphore, #tpu.memory_space<semaphore_mem>>) src(%dma_wait3A_17 : memref<10000x128xf32, #tpu.memory_space<hbm>>) dst(%arg6 : memref<80x128xf32, #tpu.memory_space<vmem>>)
      "tpu.region"() ({
        %run_scoped3A = tpu.sem_alloc : memref<!tpu.dma_semaphore, #tpu.memory_space<semaphore_mem>>
        %dma_start3A_19 = arith.constant 0 : i32
        %dma_start3A_20 = tpu.memref_slice %arg4[%add3A_13, %dma_start3A_19] : memref<320000x128xf32, #tpu.memory_space<hbm>> -> memref<80x128xf32, #tpu.memory_space<hbm>>
        %dma_start3A_21 = arith.constant 0 : i32
        %dma_start3A_22 = tpu.memref_slice %arg4[%add3A_13, %dma_start3A_21] : memref<320000x128xf32, #tpu.memory_space<hbm>> -> memref<80x128xf32, #tpu.memory_space<hbm>>
        tpu.enqueue_dma source(%arg6 : memref<80x128xf32, #tpu.memory_space<vmem>>) target(%dma_start3A_22 : memref<80x128xf32, #tpu.memory_space<hbm>>) target_semaphore(%run_scoped3A : memref<!tpu.dma_semaphore, #tpu.memory_space<semaphore_mem>>)
        %dma_wait3A_23 = arith.constant 0 : i32
        %dma_wait3A_24 = tpu.memref_slice %arg4[%add3A_13, %dma_wait3A_23] : memref<320000x128xf32, #tpu.memory_space<hbm>> -> memref<80x128xf32, #tpu.memory_space<hbm>>
        %dma_wait3A_25 = arith.constant 0 : i32
        %dma_wait3A_26 = tpu.memref_slice %arg4[%add3A_13, %dma_wait3A_25] : memref<320000x128xf32, #tpu.memory_space<hbm>> -> memref<80x128xf32, #tpu.memory_space<hbm>>
        tpu.wait_dma2 semaphore(%run_scoped3A : memref<!tpu.dma_semaphore, #tpu.memory_space<semaphore_mem>>) src(%arg6 : memref<80x128xf32, #tpu.memory_space<vmem>>) dst(%dma_wait3A_26 : memref<80x128xf32, #tpu.memory_space<hbm>>)
        tpu.yield
      }) : () -> ()
      %scan3A_18 = arith.constant 0 : i32
      scf.yield %scan3A_18 : i32
    }
    %scan3A_8 = arith.constant 125 : i32
    return
  }
}

#map = affine_map<(d0, d1) -> (0, 0)>
#map1 = affine_map<(d0, d1) -> (0)>
#map2 = affine_map<(d0, d1) -> (0, 0, 0)>
module attributes {stable_mosaic.version = 14 : i64} {
  func.func @scatter_k(%arg0: i32, %arg1: i32, %arg2: memref<160000x128xf32, #tpu.memory_space<hbm>>, %arg3: memref<160000xi32, #tpu.memory_space<hbm>>, %arg4: memref<2x10240x128xf32, #tpu.memory_space<hbm>>, %arg5: memref<10240x128xf32, #tpu.memory_space<vmem_shared>>, %arg6: memref<40x128xf32, #tpu.memory_space<vmem>>, %arg7: memref<40xi32, #tpu.memory_space<vmem>>, %arg8: memref<128x128xf32, #tpu.memory_space<vmem>>) attributes {dimension_semantics = [#tpu.dimension_semantics<core_parallel>, #tpu.dimension_semantics<subcore_parallel>], iteration_bounds = array<i64: 2, 16>, scalar_prefetch = 0 : i64, scratch_operands = 4 : i64, tpu.core_type = #tpu.core_type<sc_vector_subcore>, window_params = [{transform_indices = #map}, {transform_indices = #map1}, {transform_indices = #map2}]} {
    %mul3A = arith.constant 2 : i32
    %mul3A_0 = arith.muli %arg1, %mul3A : i32
    %add3A = arith.addi %mul3A_0, %arg0 : i32
    %broadcast_in_dim3A = arith.constant 0.000000e+00 : f32
    %broadcast_in_dim3A_1 = vector.broadcast %broadcast_in_dim3A : f32 to vector<16xf32>
    %scan3A = arith.constant 0 : i32
    %scan3A_2 = arith.constant 0 : i32
    %scan3A_3 = arith.constant 1024 : i32
    %scan3A_4 = arith.addi %scan3A_2, %scan3A_3 : i32
    %scan3A_5 = arith.constant 1 : i32
    %scan3A_6 = scf.for %scan3A_30 = %scan3A_2 to %scan3A_4 step %scan3A_5 iter_args(%scan3A_31 = %scan3A) -> (i32)  : i32 {
      %jit3A = arith.constant 8 : i32
      %div3A = arith.divsi %scan3A_30, %jit3A : i32
      %sign3A = arith.constant 0 : i32
      %sign3A_32 = arith.cmpi sgt, %scan3A_30, %sign3A : i32
      %sign3A_33 = arith.extui %sign3A_32 : i1 to i32
      %sign3A_34 = arith.constant 0 : i32
      %sign3A_35 = arith.cmpi slt, %scan3A_30, %sign3A_34 : i32
      %sign3A_36 = arith.extui %sign3A_35 : i1 to i32
      %sign3A_37 = arith.subi %sign3A_33, %sign3A_36 : i32
      %sign3A_38 = arith.constant 0 : i32
      %sign3A_39 = arith.cmpi sgt, %jit3A, %sign3A_38 : i32
      %sign3A_40 = arith.extui %sign3A_39 : i1 to i32
      %sign3A_41 = arith.constant 0 : i32
      %sign3A_42 = arith.cmpi slt, %jit3A, %sign3A_41 : i32
      %sign3A_43 = arith.extui %sign3A_42 : i1 to i32
      %sign3A_44 = arith.subi %sign3A_40, %sign3A_43 : i32
      %ne3A = arith.cmpi ne, %sign3A_37, %sign3A_44 : i32
      %rem3A = arith.remsi %scan3A_30, %jit3A : i32
      %ne3A_45 = arith.constant 0 : i32
      %ne3A_46 = arith.cmpi ne, %rem3A, %ne3A_45 : i32
      %and3A = arith.andi %ne3A, %ne3A_46 : i1
      %sub3A = arith.constant 1 : i32
      %sub3A_47 = arith.subi %div3A, %sub3A : i32
      %select_n3A = arith.select %and3A, %sub3A_47, %div3A : i32
      %jit3A_48 = arith.constant 8 : i32
      %eq3A = arith.constant 0 : i32
      %eq3A_49 = arith.cmpi eq, %jit3A_48, %eq3A : i32
      %jit3A_50 = arith.constant 1 : i32
      %select_n3A_51 = arith.select %eq3A_49, %jit3A_50, %jit3A_48 : i32
      %rem3A_52 = arith.remsi %scan3A_30, %select_n3A_51 : i32
      %ne3A_53 = arith.constant 0 : i32
      %ne3A_54 = arith.cmpi ne, %rem3A_52, %ne3A_53 : i32
      %lt3A = arith.constant 0 : i32
      %lt3A_55 = arith.cmpi slt, %rem3A_52, %lt3A : i32
      %lt3A_56 = arith.constant 0 : i32
      %lt3A_57 = arith.cmpi slt, %select_n3A_51, %lt3A_56 : i32
      %ne3A_58 = arith.xori %lt3A_55, %lt3A_57 : i1
      %and3A_59 = arith.andi %ne3A_58, %ne3A_54 : i1
      %add3A_60 = arith.addi %rem3A_52, %select_n3A_51 : i32
      %select_n3A_61 = arith.select %and3A_59, %add3A_60, %rem3A_52 : i32
      %mul3A_62 = arith.constant 16 : i32
      %mul3A_63 = arith.muli %select_n3A_61, %mul3A_62 : i32
      %swap3A = arith.index_cast %select_n3A : i32 to index
      %swap3A_64 = arith.index_cast %mul3A_63 : i32 to index
      %swap3A_65 = tpu.vector_load %arg8[%swap3A, %swap3A_64] {strides = array<i32>} : memref<128x128xf32, #tpu.memory_space<vmem>>, vector<1x16xf32>,
      %swap3A_66 = vector.shape_cast %swap3A_65 : vector<1x16xf32> to vector<16xf32>
      %swap3A_67 = vector.shape_cast %broadcast_in_dim3A_1 : vector<16xf32> to vector<1x16xf32>
      tpu.vector_store %arg8[%swap3A, %swap3A_64], %swap3A_67 {strides = array<i32>} : memref<128x128xf32, #tpu.memory_space<vmem>>, vector<1x16xf32>,
      %scan3A_68 = arith.constant 0 : i32
      scf.yield %scan3A_68 : i32
    }
    %scan3A_7 = arith.constant 1024 : i32
    %scan3A_8 = arith.constant 0 : i32
    %scan3A_9 = arith.constant 0 : i32
    %scan3A_10 = arith.constant 5 : i32
    %scan3A_11 = arith.addi %scan3A_9, %scan3A_10 : i32
    %scan3A_12 = arith.constant 1 : i32
    %scan3A_13 = scf.for %scan3A_30 = %scan3A_9 to %scan3A_11 step %scan3A_12 iter_args(%scan3A_31 = %scan3A_8) -> (i32)  : i32 {
      %mul3A_32 = arith.constant 640 : i32
      %mul3A_33 = arith.muli %arg1, %mul3A_32 : i32
      %mul3A_34 = arith.constant 128 : i32
      %mul3A_35 = arith.muli %scan3A_30, %mul3A_34 : i32
      %add3A_36 = arith.addi %mul3A_33, %mul3A_35 : i32
      "tpu.region"() ({
        %run_scoped3A = tpu.sem_alloc : memref<!tpu.dma_semaphore, #tpu.memory_space<semaphore_mem>>
        %dma_start3A = arith.constant 0 : i32
        %dma_start3A_38 = tpu.memref_slice %arg5[%add3A_36, %dma_start3A] : memref<10240x128xf32, #tpu.memory_space<vmem_shared>> -> memref<128x128xf32, #tpu.memory_space<vmem_shared>>
        %dma_start3A_39 = arith.constant 0 : i32
        %dma_start3A_40 = tpu.memref_slice %arg5[%add3A_36, %dma_start3A_39] : memref<10240x128xf32, #tpu.memory_space<vmem_shared>> -> memref<128x128xf32, #tpu.memory_space<vmem_shared>>
        tpu.enqueue_dma source(%arg8 : memref<128x128xf32, #tpu.memory_space<vmem>>) target(%dma_start3A_40 : memref<128x128xf32, #tpu.memory_space<vmem_shared>>) target_semaphore(%run_scoped3A : memref<!tpu.dma_semaphore, #tpu.memory_space<semaphore_mem>>)
        %dma_wait3A = arith.constant 0 : i32
        %dma_wait3A_41 = tpu.memref_slice %arg5[%add3A_36, %dma_wait3A] : memref<10240x128xf32, #tpu.memory_space<vmem_shared>> -> memref<128x128xf32, #tpu.memory_space<vmem_shared>>
        %dma_wait3A_42 = arith.constant 0 : i32
        %dma_wait3A_43 = tpu.memref_slice %arg5[%add3A_36, %dma_wait3A_42] : memref<10240x128xf32, #tpu.memory_space<vmem_shared>> -> memref<128x128xf32, #tpu.memory_space<vmem_shared>>
        tpu.wait_dma2 semaphore(%run_scoped3A : memref<!tpu.dma_semaphore, #tpu.memory_space<semaphore_mem>>) src(%arg8 : memref<128x128xf32, #tpu.memory_space<vmem>>) dst(%dma_wait3A_43 : memref<128x128xf32, #tpu.memory_space<vmem_shared>>)
        tpu.yield
      }) : () -> ()
      %scan3A_37 = arith.constant 0 : i32
      scf.yield %scan3A_37 : i32
    }
    %scan3A_14 = arith.constant 5 : i32
    %barrier3A = arith.constant 0 : index
    tpu.barrier barrier_id(%barrier3A)
    %scan3A_15 = arith.constant 0 : i32
    %scan3A_16 = arith.constant 0 : i32
    %scan3A_17 = arith.constant 125 : i32
    %scan3A_18 = arith.addi %scan3A_16, %scan3A_17 : i32
    %scan3A_19 = arith.constant 1 : i32
    %scan3A_20 = scf.for %scan3A_30 = %scan3A_16 to %scan3A_18 step %scan3A_19 iter_args(%scan3A_31 = %scan3A_15) -> (i32)  : i32 {
      %mul3A_32 = arith.constant 5000 : i32
      %mul3A_33 = arith.muli %add3A, %mul3A_32 : i32
      %mul3A_34 = arith.constant 40 : i32
      %mul3A_35 = arith.muli %scan3A_30, %mul3A_34 : i32
      %add3A_36 = arith.addi %mul3A_33, %mul3A_35 : i32
      "tpu.region"() ({
        %run_scoped3A = tpu.sem_alloc : memref<!tpu.dma_semaphore, #tpu.memory_space<semaphore_mem>>
        %dma_start3A = arith.constant 0 : i32
        %dma_start3A_38 = tpu.memref_slice %arg2[%add3A_36, %dma_start3A] : memref<160000x128xf32, #tpu.memory_space<hbm>> -> memref<40x128xf32, #tpu.memory_space<hbm>>
        %dma_start3A_39 = arith.constant 0 : i32
        %dma_start3A_40 = tpu.memref_slice %arg2[%add3A_36, %dma_start3A_39] : memref<160000x128xf32, #tpu.memory_space<hbm>> -> memref<40x128xf32, #tpu.memory_space<hbm>>
        tpu.enqueue_dma source(%dma_start3A_40 : memref<40x128xf32, #tpu.memory_space<hbm>>) target(%arg6 : memref<40x128xf32, #tpu.memory_space<vmem>>) target_semaphore(%run_scoped3A : memref<!tpu.dma_semaphore, #tpu.memory_space<semaphore_mem>>)
        %dma_wait3A = arith.constant 0 : i32
        %dma_wait3A_41 = tpu.memref_slice %arg2[%add3A_36, %dma_wait3A] : memref<160000x128xf32, #tpu.memory_space<hbm>> -> memref<40x128xf32, #tpu.memory_space<hbm>>
        %dma_wait3A_42 = arith.constant 0 : i32
        %dma_wait3A_43 = tpu.memref_slice %arg2[%add3A_36, %dma_wait3A_42] : memref<160000x128xf32, #tpu.memory_space<hbm>> -> memref<40x128xf32, #tpu.memory_space<hbm>>
        tpu.wait_dma2 semaphore(%run_scoped3A : memref<!tpu.dma_semaphore, #tpu.memory_space<semaphore_mem>>) src(%dma_wait3A_43 : memref<40x128xf32, #tpu.memory_space<hbm>>) dst(%arg6 : memref<40x128xf32, #tpu.memory_space<vmem>>)
        tpu.yield
      }) : () -> ()
      "tpu.region"() ({
        %run_scoped3A = tpu.sem_alloc : memref<!tpu.dma_semaphore, #tpu.memory_space<semaphore_mem>>
        %dma_start3A = tpu.memref_slice %arg3[%add3A_36] : memref<160000xi32, #tpu.memory_space<hbm>> -> memref<40xi32, #tpu.memory_space<hbm>>
        %dma_start3A_38 = tpu.memref_slice %arg3[%add3A_36] : memref<160000xi32, #tpu.memory_space<hbm>> -> memref<40xi32, #tpu.memory_space<hbm>>
        tpu.enqueue_dma source(%dma_start3A_38 : memref<40xi32, #tpu.memory_space<hbm>>) target(%arg7 : memref<40xi32, #tpu.memory_space<vmem>>) target_semaphore(%run_scoped3A : memref<!tpu.dma_semaphore, #tpu.memory_space<semaphore_mem>>)
        %dma_wait3A = tpu.memref_slice %arg3[%add3A_36] : memref<160000xi32, #tpu.memory_space<hbm>> -> memref<40xi32, #tpu.memory_space<hbm>>
        %dma_wait3A_39 = tpu.memref_slice %arg3[%add3A_36] : memref<160000xi32, #tpu.memory_space<hbm>> -> memref<40xi32, #tpu.memory_space<hbm>>
        tpu.wait_dma2 semaphore(%run_scoped3A : memref<!tpu.dma_semaphore, #tpu.memory_space<semaphore_mem>>) src(%dma_wait3A_39 : memref<40xi32, #tpu.memory_space<hbm>>) dst(%arg7 : memref<40xi32, #tpu.memory_space<vmem>>)
        tpu.yield
      }) : () -> ()
      "tpu.region"() ({
        %run_scoped3A = tpu.sem_alloc : memref<!tpu.dma_semaphore, #tpu.memory_space<semaphore_mem>>
        %dma_start3A = arith.constant 0 : i32
        %dma_start3A_38 = arith.constant 0 : i32
        %dma_start3A_39 = tpu.memref_slice %arg5[%dma_start3A, %dma_start3A_38] : memref<10240x128xf32, #tpu.memory_space<vmem_shared>> -> memref<10240x128xf32, #tpu.memory_space<vmem_shared>>
        tpu.enqueue_indirect_dma source(%arg6 : memref<40x128xf32, #tpu.memory_space<vmem>>) target(%dma_start3A_39 : memref<10240x128xf32, #tpu.memory_space<vmem_shared>>) offsets(%arg7 : memref<40xi32, #tpu.memory_space<vmem>>) semaphore(%run_scoped3A : memref<!tpu.dma_semaphore, #tpu.memory_space<semaphore_mem>>) {add = true}
        %dma_wait3A = arith.constant 0 : i32
        %dma_wait3A_40 = arith.constant 0 : i32
        %dma_wait3A_41 = tpu.memref_slice %arg5[%dma_wait3A, %dma_wait3A_40] : memref<10240x128xf32, #tpu.memory_space<vmem_shared>> -> memref<10240x128xf32, #tpu.memory_space<vmem_shared>>
        tpu.wait_indirect_dma semaphore(%run_scoped3A : memref<!tpu.dma_semaphore, #tpu.memory_space<semaphore_mem>>) src(%arg6 : memref<40x128xf32, #tpu.memory_space<vmem>>) dst(%dma_wait3A_41 : memref<10240x128xf32, #tpu.memory_space<vmem_shared>>)
        tpu.yield
      }) : () -> ()
      %scan3A_37 = arith.constant 0 : i32
      scf.yield %scan3A_37 : i32
    }
    %scan3A_21 = arith.constant 125 : i32
    %barrier3A_22 = arith.constant 0 : index
    tpu.barrier barrier_id(%barrier3A_22)
    %scan3A_23 = arith.constant 0 : i32
    %scan3A_24 = arith.constant 0 : i32
    %scan3A_25 = arith.constant 5 : i32
    %scan3A_26 = arith.addi %scan3A_24, %scan3A_25 : i32
    %scan3A_27 = arith.constant 1 : i32
    %scan3A_28 = scf.for %scan3A_30 = %scan3A_24 to %scan3A_26 step %scan3A_27 iter_args(%scan3A_31 = %scan3A_23) -> (i32)  : i32 {
      %mul3A_32 = arith.constant 640 : i32
      %mul3A_33 = arith.muli %arg1, %mul3A_32 : i32
      %mul3A_34 = arith.constant 128 : i32
      %mul3A_35 = arith.muli %scan3A_30, %mul3A_34 : i32
      %add3A_36 = arith.addi %mul3A_33, %mul3A_35 : i32
      "tpu.region"() ({
        %run_scoped3A = tpu.sem_alloc : memref<!tpu.dma_semaphore, #tpu.memory_space<semaphore_mem>>
        %dma_start3A = arith.constant 0 : i32
        %dma_start3A_38 = tpu.memref_slice %arg5[%add3A_36, %dma_start3A] : memref<10240x128xf32, #tpu.memory_space<vmem_shared>> -> memref<128x128xf32, #tpu.memory_space<vmem_shared>>
        %dma_start3A_39 = arith.constant 0 : i32
        %dma_start3A_40 = tpu.memref_slice %arg5[%add3A_36, %dma_start3A_39] : memref<10240x128xf32, #tpu.memory_space<vmem_shared>> -> memref<128x128xf32, #tpu.memory_space<vmem_shared>>
        tpu.enqueue_dma source(%dma_start3A_40 : memref<128x128xf32, #tpu.memory_space<vmem_shared>>) target(%arg8 : memref<128x128xf32, #tpu.memory_space<vmem>>) target_semaphore(%run_scoped3A : memref<!tpu.dma_semaphore, #tpu.memory_space<semaphore_mem>>)
        %dma_wait3A = arith.constant 0 : i32
        %dma_wait3A_41 = tpu.memref_slice %arg5[%add3A_36, %dma_wait3A] : memref<10240x128xf32, #tpu.memory_space<vmem_shared>> -> memref<128x128xf32, #tpu.memory_space<vmem_shared>>
        %dma_wait3A_42 = arith.constant 0 : i32
        %dma_wait3A_43 = tpu.memref_slice %arg5[%add3A_36, %dma_wait3A_42] : memref<10240x128xf32, #tpu.memory_space<vmem_shared>> -> memref<128x128xf32, #tpu.memory_space<vmem_shared>>
        tpu.wait_dma2 semaphore(%run_scoped3A : memref<!tpu.dma_semaphore, #tpu.memory_space<semaphore_mem>>) src(%dma_wait3A_43 : memref<128x128xf32, #tpu.memory_space<vmem_shared>>) dst(%arg8 : memref<128x128xf32, #tpu.memory_space<vmem>>)
        tpu.yield
      }) : () -> ()
      "tpu.region"() ({
        %run_scoped3A = tpu.sem_alloc : memref<!tpu.dma_semaphore, #tpu.memory_space<semaphore_mem>>
        %dma_start3A = arith.constant 0 : i32
        %dma_start3A_38 = arith.constant 0 : i32
        %dma_start3A_39 = tpu.memref_slice %arg4[%arg0, %dma_start3A, %dma_start3A_38] : memref<2x10240x128xf32, #tpu.memory_space<hbm>> -> memref<1x10240x128xf32, #tpu.memory_space<hbm>>
        %dma_start3A_40 = tpu.memref_squeeze %dma_start3A_39 : memref<1x10240x128xf32, #tpu.memory_space<hbm>> -> memref<10240x128xf32, #tpu.memory_space<hbm>>
        %dma_start3A_41 = arith.constant 0 : i32
        %dma_start3A_42 = tpu.memref_slice %dma_start3A_40[%add3A_36, %dma_start3A_41] : memref<10240x128xf32, #tpu.memory_space<hbm>> -> memref<128x128xf32, #tpu.memory_space<hbm>>
        %dma_start3A_43 = arith.constant 0 : i32
        %dma_start3A_44 = arith.constant 0 : i32
        %dma_start3A_45 = tpu.memref_slice %arg4[%arg0, %dma_start3A_43, %dma_start3A_44] : memref<2x10240x128xf32, #tpu.memory_space<hbm>> -> memref<1x10240x128xf32, #tpu.memory_space<hbm>>
        %dma_start3A_46 = tpu.memref_squeeze %dma_start3A_45 : memref<1x10240x128xf32, #tpu.memory_space<hbm>> -> memref<10240x128xf32, #tpu.memory_space<hbm>>
        %dma_start3A_47 = arith.constant 0 : i32
        %dma_start3A_48 = tpu.memref_slice %dma_start3A_46[%add3A_36, %dma_start3A_47] : memref<10240x128xf32, #tpu.memory_space<hbm>> -> memref<128x128xf32, #tpu.memory_space<hbm>>
        tpu.enqueue_dma source(%arg8 : memref<128x128xf32, #tpu.memory_space<vmem>>) target(%dma_start3A_48 : memref<128x128xf32, #tpu.memory_space<hbm>>) target_semaphore(%run_scoped3A : memref<!tpu.dma_semaphore, #tpu.memory_space<semaphore_mem>>)
        %dma_wait3A = arith.constant 0 : i32
        %dma_wait3A_49 = arith.constant 0 : i32
        %dma_wait3A_50 = tpu.memref_slice %arg4[%arg0, %dma_wait3A, %dma_wait3A_49] : memref<2x10240x128xf32, #tpu.memory_space<hbm>> -> memref<1x10240x128xf32, #tpu.memory_space<hbm>>
        %dma_wait3A_51 = tpu.memref_squeeze %dma_wait3A_50 : memref<1x10240x128xf32, #tpu.memory_space<hbm>> -> memref<10240x128xf32, #tpu.memory_space<hbm>>
        %dma_wait3A_52 = arith.constant 0 : i32
        %dma_wait3A_53 = tpu.memref_slice %dma_wait3A_51[%add3A_36, %dma_wait3A_52] : memref<10240x128xf32, #tpu.memory_space<hbm>> -> memref<128x128xf32, #tpu.memory_space<hbm>>
        %dma_wait3A_54 = arith.constant 0 : i32
        %dma_wait3A_55 = arith.constant 0 : i32
        %dma_wait3A_56 = tpu.memref_slice %arg4[%arg0, %dma_wait3A_54, %dma_wait3A_55] : memref<2x10240x128xf32, #tpu.memory_space<hbm>> -> memref<1x10240x128xf32, #tpu.memory_space<hbm>>
        %dma_wait3A_57 = tpu.memref_squeeze %dma_wait3A_56 : memref<1x10240x128xf32, #tpu.memory_space<hbm>> -> memref<10240x128xf32, #tpu.memory_space<hbm>>
        %dma_wait3A_58 = arith.constant 0 : i32
        %dma_wait3A_59 = tpu.memref_slice %dma_wait3A_57[%add3A_36, %dma_wait3A_58] : memref<10240x128xf32, #tpu.memory_space<hbm>> -> memref<128x128xf32, #tpu.memory_space<hbm>>
        tpu.wait_dma2 semaphore(%run_scoped3A : memref<!tpu.dma_semaphore, #tpu.memory_space<semaphore_mem>>) src(%arg8 : memref<128x128xf32, #tpu.memory_space<vmem>>) dst(%dma_wait3A_59 : memref<128x128xf32, #tpu.memory_space<hbm>>)
        tpu.yield
      }) : () -> ()
      %scan3A_37 = arith.constant 0 : i32
      scf.yield %scan3A_37 : i32
    }
    %scan3A_29 = arith.constant 5 : i32
    return
  }
}

#map = affine_map<(d0, d1) -> (0, 0)>
#map1 = affine_map<(d0, d1) -> (0)>
#map2 = affine_map<(d0, d1) -> (0, 0, 0)>
module attributes {stable_mosaic.version = 14 : i64} {
  func.func @scatter_k(%arg0: i32, %arg1: i32, %arg2: memref<160000x128xf32, #tpu.memory_space<hbm>>, %arg3: memref<160000xi32, #tpu.memory_space<hbm>>, %arg4: memref<2x10240x128xf32, #tpu.memory_space<hbm>>, %arg5: memref<10240x128xf32, #tpu.memory_space<vmem_shared>>, %arg6: memref<40x128xf32, #tpu.memory_space<vmem>>, %arg7: memref<40xi32, #tpu.memory_space<vmem>>, %arg8: memref<128x128xf32, #tpu.memory_space<vmem>>) attributes {dimension_semantics = [#tpu.dimension_semantics<core_parallel>, #tpu.dimension_semantics<subcore_parallel>], iteration_bounds = array<i64: 2, 16>, scalar_prefetch = 0 : i64, scratch_operands = 4 : i64, tpu.core_type = #tpu.core_type<sc_vector_subcore>, window_params = [{transform_indices = #map}, {transform_indices = #map1}, {transform_indices = #map2}]} {
    %mul3A = arith.constant 2 : i32
    %mul3A_0 = arith.muli %arg1, %mul3A : i32
    %add3A = arith.addi %mul3A_0, %arg0 : i32
    %broadcast_in_dim3A = arith.constant 0.000000e+00 : f32
    %broadcast_in_dim3A_1 = vector.broadcast %broadcast_in_dim3A : f32 to vector<16xf32>
    %scan3A = arith.constant 0 : i32
    %scan3A_2 = arith.constant 0 : i32
    %scan3A_3 = arith.constant 1024 : i32
    %scan3A_4 = arith.addi %scan3A_2, %scan3A_3 : i32
    %scan3A_5 = arith.constant 1 : i32
    %scan3A_6 = scf.for %scan3A_30 = %scan3A_2 to %scan3A_4 step %scan3A_5 iter_args(%scan3A_31 = %scan3A) -> (i32)  : i32 {
      %jit3A = arith.constant 8 : i32
      %div3A = arith.divsi %scan3A_30, %jit3A : i32
      %sign3A = arith.constant 0 : i32
      %sign3A_32 = arith.cmpi sgt, %scan3A_30, %sign3A : i32
      %sign3A_33 = arith.extui %sign3A_32 : i1 to i32
      %sign3A_34 = arith.constant 0 : i32
      %sign3A_35 = arith.cmpi slt, %scan3A_30, %sign3A_34 : i32
      %sign3A_36 = arith.extui %sign3A_35 : i1 to i32
      %sign3A_37 = arith.subi %sign3A_33, %sign3A_36 : i32
      %sign3A_38 = arith.constant 0 : i32
      %sign3A_39 = arith.cmpi sgt, %jit3A, %sign3A_38 : i32
      %sign3A_40 = arith.extui %sign3A_39 : i1 to i32
      %sign3A_41 = arith.constant 0 : i32
      %sign3A_42 = arith.cmpi slt, %jit3A, %sign3A_41 : i32
      %sign3A_43 = arith.extui %sign3A_42 : i1 to i32
      %sign3A_44 = arith.subi %sign3A_40, %sign3A_43 : i32
      %ne3A = arith.cmpi ne, %sign3A_37, %sign3A_44 : i32
      %rem3A = arith.remsi %scan3A_30, %jit3A : i32
      %ne3A_45 = arith.constant 0 : i32
      %ne3A_46 = arith.cmpi ne, %rem3A, %ne3A_45 : i32
      %and3A = arith.andi %ne3A, %ne3A_46 : i1
      %sub3A = arith.constant 1 : i32
      %sub3A_47 = arith.subi %div3A, %sub3A : i32
      %select_n3A = arith.select %and3A, %sub3A_47, %div3A : i32
      %jit3A_48 = arith.constant 8 : i32
      %eq3A = arith.constant 0 : i32
      %eq3A_49 = arith.cmpi eq, %jit3A_48, %eq3A : i32
      %jit3A_50 = arith.constant 1 : i32
      %select_n3A_51 = arith.select %eq3A_49, %jit3A_50, %jit3A_48 : i32
      %rem3A_52 = arith.remsi %scan3A_30, %select_n3A_51 : i32
      %ne3A_53 = arith.constant 0 : i32
      %ne3A_54 = arith.cmpi ne, %rem3A_52, %ne3A_53 : i32
      %lt3A = arith.constant 0 : i32
      %lt3A_55 = arith.cmpi slt, %rem3A_52, %lt3A : i32
      %lt3A_56 = arith.constant 0 : i32
      %lt3A_57 = arith.cmpi slt, %select_n3A_51, %lt3A_56 : i32
      %ne3A_58 = arith.xori %lt3A_55, %lt3A_57 : i1
      %and3A_59 = arith.andi %ne3A_58, %ne3A_54 : i1
      %add3A_60 = arith.addi %rem3A_52, %select_n3A_51 : i32
      %select_n3A_61 = arith.select %and3A_59, %add3A_60, %rem3A_52 : i32
      %mul3A_62 = arith.constant 16 : i32
      %mul3A_63 = arith.muli %select_n3A_61, %mul3A_62 : i32
      %swap3A = arith.index_cast %select_n3A : i32 to index
      %swap3A_64 = arith.index_cast %mul3A_63 : i32 to index
      %swap3A_65 = tpu.vector_load %arg8[%swap3A, %swap3A_64] {strides = array<i32>} : memref<128x128xf32, #tpu.memory_space<vmem>>, vector<1x16xf32>,
      %swap3A_66 = vector.shape_cast %swap3A_65 : vector<1x16xf32> to vector<16xf32>
      %swap3A_67 = vector.shape_cast %broadcast_in_dim3A_1 : vector<16xf32> to vector<1x16xf32>
      tpu.vector_store %arg8[%swap3A, %swap3A_64], %swap3A_67 {strides = array<i32>} : memref<128x128xf32, #tpu.memory_space<vmem>>, vector<1x16xf32>,
      %scan3A_68 = arith.constant 0 : i32
      scf.yield %scan3A_68 : i32
    }
    %scan3A_7 = arith.constant 1024 : i32
    %scan3A_8 = arith.constant 0 : i32
    %scan3A_9 = arith.constant 0 : i32
    %scan3A_10 = arith.constant 5 : i32
    %scan3A_11 = arith.addi %scan3A_9, %scan3A_10 : i32
    %scan3A_12 = arith.constant 1 : i32
    %scan3A_13 = scf.for %scan3A_30 = %scan3A_9 to %scan3A_11 step %scan3A_12 iter_args(%scan3A_31 = %scan3A_8) -> (i32)  : i32 {
      %mul3A_32 = arith.constant 640 : i32
      %mul3A_33 = arith.muli %arg1, %mul3A_32 : i32
      %mul3A_34 = arith.constant 128 : i32
      %mul3A_35 = arith.muli %scan3A_30, %mul3A_34 : i32
      %add3A_36 = arith.addi %mul3A_33, %mul3A_35 : i32
      "tpu.region"() ({
        %run_scoped3A = tpu.sem_alloc : memref<!tpu.dma_semaphore, #tpu.memory_space<semaphore_mem>>
        %dma_start3A = arith.constant 0 : i32
        %dma_start3A_38 = tpu.memref_slice %arg5[%add3A_36, %dma_start3A] : memref<10240x128xf32, #tpu.memory_space<vmem_shared>> -> memref<128x128xf32, #tpu.memory_space<vmem_shared>>
        %dma_start3A_39 = arith.constant 0 : i32
        %dma_start3A_40 = tpu.memref_slice %arg5[%add3A_36, %dma_start3A_39] : memref<10240x128xf32, #tpu.memory_space<vmem_shared>> -> memref<128x128xf32, #tpu.memory_space<vmem_shared>>
        tpu.enqueue_dma source(%arg8 : memref<128x128xf32, #tpu.memory_space<vmem>>) target(%dma_start3A_40 : memref<128x128xf32, #tpu.memory_space<vmem_shared>>) target_semaphore(%run_scoped3A : memref<!tpu.dma_semaphore, #tpu.memory_space<semaphore_mem>>)
        %dma_wait3A = arith.constant 0 : i32
        %dma_wait3A_41 = tpu.memref_slice %arg5[%add3A_36, %dma_wait3A] : memref<10240x128xf32, #tpu.memory_space<vmem_shared>> -> memref<128x128xf32, #tpu.memory_space<vmem_shared>>
        %dma_wait3A_42 = arith.constant 0 : i32
        %dma_wait3A_43 = tpu.memref_slice %arg5[%add3A_36, %dma_wait3A_42] : memref<10240x128xf32, #tpu.memory_space<vmem_shared>> -> memref<128x128xf32, #tpu.memory_space<vmem_shared>>
        tpu.wait_dma2 semaphore(%run_scoped3A : memref<!tpu.dma_semaphore, #tpu.memory_space<semaphore_mem>>) src(%arg8 : memref<128x128xf32, #tpu.memory_space<vmem>>) dst(%dma_wait3A_43 : memref<128x128xf32, #tpu.memory_space<vmem_shared>>)
        tpu.yield
      }) : () -> ()
      %scan3A_37 = arith.constant 0 : i32
      scf.yield %scan3A_37 : i32
    }
    %scan3A_14 = arith.constant 5 : i32
    %barrier3A = arith.constant 0 : index
    tpu.barrier barrier_id(%barrier3A)
    %scan3A_15 = arith.constant 0 : i32
    %scan3A_16 = arith.constant 0 : i32
    %scan3A_17 = arith.constant 125 : i32
    %scan3A_18 = arith.addi %scan3A_16, %scan3A_17 : i32
    %scan3A_19 = arith.constant 1 : i32
    %scan3A_20 = scf.for %scan3A_30 = %scan3A_16 to %scan3A_18 step %scan3A_19 iter_args(%scan3A_31 = %scan3A_15) -> (i32)  : i32 {
      %mul3A_32 = arith.constant 5000 : i32
      %mul3A_33 = arith.muli %add3A, %mul3A_32 : i32
      %mul3A_34 = arith.constant 40 : i32
      %mul3A_35 = arith.muli %scan3A_30, %mul3A_34 : i32
      %add3A_36 = arith.addi %mul3A_33, %mul3A_35 : i32
      "tpu.region"() ({
        %run_scoped3A = tpu.sem_alloc : memref<!tpu.dma_semaphore, #tpu.memory_space<semaphore_mem>>
        %dma_start3A = arith.constant 0 : i32
        %dma_start3A_38 = tpu.memref_slice %arg2[%add3A_36, %dma_start3A] : memref<160000x128xf32, #tpu.memory_space<hbm>> -> memref<40x128xf32, #tpu.memory_space<hbm>>
        %dma_start3A_39 = arith.constant 0 : i32
        %dma_start3A_40 = tpu.memref_slice %arg2[%add3A_36, %dma_start3A_39] : memref<160000x128xf32, #tpu.memory_space<hbm>> -> memref<40x128xf32, #tpu.memory_space<hbm>>
        tpu.enqueue_dma source(%dma_start3A_40 : memref<40x128xf32, #tpu.memory_space<hbm>>) target(%arg6 : memref<40x128xf32, #tpu.memory_space<vmem>>) target_semaphore(%run_scoped3A : memref<!tpu.dma_semaphore, #tpu.memory_space<semaphore_mem>>)
        %dma_wait3A = arith.constant 0 : i32
        %dma_wait3A_41 = tpu.memref_slice %arg2[%add3A_36, %dma_wait3A] : memref<160000x128xf32, #tpu.memory_space<hbm>> -> memref<40x128xf32, #tpu.memory_space<hbm>>
        %dma_wait3A_42 = arith.constant 0 : i32
        %dma_wait3A_43 = tpu.memref_slice %arg2[%add3A_36, %dma_wait3A_42] : memref<160000x128xf32, #tpu.memory_space<hbm>> -> memref<40x128xf32, #tpu.memory_space<hbm>>
        tpu.wait_dma2 semaphore(%run_scoped3A : memref<!tpu.dma_semaphore, #tpu.memory_space<semaphore_mem>>) src(%dma_wait3A_43 : memref<40x128xf32, #tpu.memory_space<hbm>>) dst(%arg6 : memref<40x128xf32, #tpu.memory_space<vmem>>)
        tpu.yield
      }) : () -> ()
      "tpu.region"() ({
        %run_scoped3A = tpu.sem_alloc : memref<!tpu.dma_semaphore, #tpu.memory_space<semaphore_mem>>
        %dma_start3A = tpu.memref_slice %arg3[%add3A_36] : memref<160000xi32, #tpu.memory_space<hbm>> -> memref<40xi32, #tpu.memory_space<hbm>>
        %dma_start3A_38 = tpu.memref_slice %arg3[%add3A_36] : memref<160000xi32, #tpu.memory_space<hbm>> -> memref<40xi32, #tpu.memory_space<hbm>>
        tpu.enqueue_dma source(%dma_start3A_38 : memref<40xi32, #tpu.memory_space<hbm>>) target(%arg7 : memref<40xi32, #tpu.memory_space<vmem>>) target_semaphore(%run_scoped3A : memref<!tpu.dma_semaphore, #tpu.memory_space<semaphore_mem>>)
        %dma_wait3A = tpu.memref_slice %arg3[%add3A_36] : memref<160000xi32, #tpu.memory_space<hbm>> -> memref<40xi32, #tpu.memory_space<hbm>>
        %dma_wait3A_39 = tpu.memref_slice %arg3[%add3A_36] : memref<160000xi32, #tpu.memory_space<hbm>> -> memref<40xi32, #tpu.memory_space<hbm>>
        tpu.wait_dma2 semaphore(%run_scoped3A : memref<!tpu.dma_semaphore, #tpu.memory_space<semaphore_mem>>) src(%dma_wait3A_39 : memref<40xi32, #tpu.memory_space<hbm>>) dst(%arg7 : memref<40xi32, #tpu.memory_space<vmem>>)
        tpu.yield
      }) : () -> ()
      "tpu.region"() ({
        %run_scoped3A = tpu.sem_alloc : memref<!tpu.dma_semaphore, #tpu.memory_space<semaphore_mem>>
        %dma_start3A = arith.constant 0 : i32
        %dma_start3A_38 = arith.constant 0 : i32
        %dma_start3A_39 = tpu.memref_slice %arg5[%dma_start3A, %dma_start3A_38] : memref<10240x128xf32, #tpu.memory_space<vmem_shared>> -> memref<10240x128xf32, #tpu.memory_space<vmem_shared>>
        tpu.enqueue_indirect_dma source(%arg6 : memref<40x128xf32, #tpu.memory_space<vmem>>) target(%dma_start3A_39 : memref<10240x128xf32, #tpu.memory_space<vmem_shared>>) offsets(%arg7 : memref<40xi32, #tpu.memory_space<vmem>>) semaphore(%run_scoped3A : memref<!tpu.dma_semaphore, #tpu.memory_space<semaphore_mem>>) {add = true}
        %dma_wait3A = arith.constant 0 : i32
        %dma_wait3A_40 = arith.constant 0 : i32
        %dma_wait3A_41 = tpu.memref_slice %arg5[%dma_wait3A, %dma_wait3A_40] : memref<10240x128xf32, #tpu.memory_space<vmem_shared>> -> memref<10240x128xf32, #tpu.memory_space<vmem_shared>>
        tpu.wait_indirect_dma semaphore(%run_scoped3A : memref<!tpu.dma_semaphore, #tpu.memory_space<semaphore_mem>>) src(%arg6 : memref<40x128xf32, #tpu.memory_space<vmem>>) dst(%dma_wait3A_41 : memref<10240x128xf32, #tpu.memory_space<vmem_shared>>)
        tpu.yield
      }) : () -> ()
      %scan3A_37 = arith.constant 0 : i32
      scf.yield %scan3A_37 : i32
    }
    %scan3A_21 = arith.constant 125 : i32
    %barrier3A_22 = arith.constant 0 : index
    tpu.barrier barrier_id(%barrier3A_22)
    %scan3A_23 = arith.constant 0 : i32
    %scan3A_24 = arith.constant 0 : i32
    %scan3A_25 = arith.constant 5 : i32
    %scan3A_26 = arith.addi %scan3A_24, %scan3A_25 : i32
    %scan3A_27 = arith.constant 1 : i32
    %scan3A_28 = scf.for %scan3A_30 = %scan3A_24 to %scan3A_26 step %scan3A_27 iter_args(%scan3A_31 = %scan3A_23) -> (i32)  : i32 {
      %mul3A_32 = arith.constant 640 : i32
      %mul3A_33 = arith.muli %arg1, %mul3A_32 : i32
      %mul3A_34 = arith.constant 128 : i32
      %mul3A_35 = arith.muli %scan3A_30, %mul3A_34 : i32
      %add3A_36 = arith.addi %mul3A_33, %mul3A_35 : i32
      "tpu.region"() ({
        %run_scoped3A = tpu.sem_alloc : memref<!tpu.dma_semaphore, #tpu.memory_space<semaphore_mem>>
        %dma_start3A = arith.constant 0 : i32
        %dma_start3A_38 = tpu.memref_slice %arg5[%add3A_36, %dma_start3A] : memref<10240x128xf32, #tpu.memory_space<vmem_shared>> -> memref<128x128xf32, #tpu.memory_space<vmem_shared>>
        %dma_start3A_39 = arith.constant 0 : i32
        %dma_start3A_40 = tpu.memref_slice %arg5[%add3A_36, %dma_start3A_39] : memref<10240x128xf32, #tpu.memory_space<vmem_shared>> -> memref<128x128xf32, #tpu.memory_space<vmem_shared>>
        tpu.enqueue_dma source(%dma_start3A_40 : memref<128x128xf32, #tpu.memory_space<vmem_shared>>) target(%arg8 : memref<128x128xf32, #tpu.memory_space<vmem>>) target_semaphore(%run_scoped3A : memref<!tpu.dma_semaphore, #tpu.memory_space<semaphore_mem>>)
        %dma_wait3A = arith.constant 0 : i32
        %dma_wait3A_41 = tpu.memref_slice %arg5[%add3A_36, %dma_wait3A] : memref<10240x128xf32, #tpu.memory_space<vmem_shared>> -> memref<128x128xf32, #tpu.memory_space<vmem_shared>>
        %dma_wait3A_42 = arith.constant 0 : i32
        %dma_wait3A_43 = tpu.memref_slice %arg5[%add3A_36, %dma_wait3A_42] : memref<10240x128xf32, #tpu.memory_space<vmem_shared>> -> memref<128x128xf32, #tpu.memory_space<vmem_shared>>
        tpu.wait_dma2 semaphore(%run_scoped3A : memref<!tpu.dma_semaphore, #tpu.memory_space<semaphore_mem>>) src(%dma_wait3A_43 : memref<128x128xf32, #tpu.memory_space<vmem_shared>>) dst(%arg8 : memref<128x128xf32, #tpu.memory_space<vmem>>)
        tpu.yield
      }) : () -> ()
      "tpu.region"() ({
        %run_scoped3A = tpu.sem_alloc : memref<!tpu.dma_semaphore, #tpu.memory_space<semaphore_mem>>
        %dma_start3A = arith.constant 0 : i32
        %dma_start3A_38 = arith.constant 0 : i32
        %dma_start3A_39 = tpu.memref_slice %arg4[%arg0, %dma_start3A, %dma_start3A_38] : memref<2x10240x128xf32, #tpu.memory_space<hbm>> -> memref<1x10240x128xf32, #tpu.memory_space<hbm>>
        %dma_start3A_40 = tpu.memref_squeeze %dma_start3A_39 : memref<1x10240x128xf32, #tpu.memory_space<hbm>> -> memref<10240x128xf32, #tpu.memory_space<hbm>>
        %dma_start3A_41 = arith.constant 0 : i32
        %dma_start3A_42 = tpu.memref_slice %dma_start3A_40[%add3A_36, %dma_start3A_41] : memref<10240x128xf32, #tpu.memory_space<hbm>> -> memref<128x128xf32, #tpu.memory_space<hbm>>
        %dma_start3A_43 = arith.constant 0 : i32
        %dma_start3A_44 = arith.constant 0 : i32
        %dma_start3A_45 = tpu.memref_slice %arg4[%arg0, %dma_start3A_43, %dma_start3A_44] : memref<2x10240x128xf32, #tpu.memory_space<hbm>> -> memref<1x10240x128xf32, #tpu.memory_space<hbm>>
        %dma_start3A_46 = tpu.memref_squeeze %dma_start3A_45 : memref<1x10240x128xf32, #tpu.memory_space<hbm>> -> memref<10240x128xf32, #tpu.memory_space<hbm>>
        %dma_start3A_47 = arith.constant 0 : i32
        %dma_start3A_48 = tpu.memref_slice %dma_start3A_46[%add3A_36, %dma_start3A_47] : memref<10240x128xf32, #tpu.memory_space<hbm>> -> memref<128x128xf32, #tpu.memory_space<hbm>>
        tpu.enqueue_dma source(%arg8 : memref<128x128xf32, #tpu.memory_space<vmem>>) target(%dma_start3A_48 : memref<128x128xf32, #tpu.memory_space<hbm>>) target_semaphore(%run_scoped3A : memref<!tpu.dma_semaphore, #tpu.memory_space<semaphore_mem>>)
        %dma_wait3A = arith.constant 0 : i32
        %dma_wait3A_49 = arith.constant 0 : i32
        %dma_wait3A_50 = tpu.memref_slice %arg4[%arg0, %dma_wait3A, %dma_wait3A_49] : memref<2x10240x128xf32, #tpu.memory_space<hbm>> -> memref<1x10240x128xf32, #tpu.memory_space<hbm>>
        %dma_wait3A_51 = tpu.memref_squeeze %dma_wait3A_50 : memref<1x10240x128xf32, #tpu.memory_space<hbm>> -> memref<10240x128xf32, #tpu.memory_space<hbm>>
        %dma_wait3A_52 = arith.constant 0 : i32
        %dma_wait3A_53 = tpu.memref_slice %dma_wait3A_51[%add3A_36, %dma_wait3A_52] : memref<10240x128xf32, #tpu.memory_space<hbm>> -> memref<128x128xf32, #tpu.memory_space<hbm>>
        %dma_wait3A_54 = arith.constant 0 : i32
        %dma_wait3A_55 = arith.constant 0 : i32
        %dma_wait3A_56 = tpu.memref_slice %arg4[%arg0, %dma_wait3A_54, %dma_wait3A_55] : memref<2x10240x128xf32, #tpu.memory_space<hbm>> -> memref<1x10240x128xf32, #tpu.memory_space<hbm>>
        %dma_wait3A_57 = tpu.memref_squeeze %dma_wait3A_56 : memref<1x10240x128xf32, #tpu.memory_space<hbm>> -> memref<10240x128xf32, #tpu.memory_space<hbm>>
        %dma_wait3A_58 = arith.constant 0 : i32
        %dma_wait3A_59 = tpu.memref_slice %dma_wait3A_57[%add3A_36, %dma_wait3A_58] : memref<10240x128xf32, #tpu.memory_space<hbm>> -> memref<128x128xf32, #tpu.memory_space<hbm>>
        tpu.wait_dma2 semaphore(%run_scoped3A : memref<!tpu.dma_semaphore, #tpu.memory_space<semaphore_mem>>) src(%arg8 : memref<128x128xf32, #tpu.memory_space<vmem>>) dst(%dma_wait3A_59 : memref<128x128xf32, #tpu.memory_space<hbm>>)
        tpu.yield
      }) : () -> ()
      %scan3A_37 = arith.constant 0 : i32
      scf.yield %scan3A_37 : i32
    }
    %scan3A_29 = arith.constant 5 : i32
    return
  }
}

module attributes {stable_mosaic.version = 14 : i64} {
  func.func @_edge_body(%arg0: i32, %arg1: memref<640x128xf32, #tpu.memory_space<vmem>>, %arg2: memref<640x128xf32, #tpu.memory_space<vmem>>, %arg3: memref<640x16xf32, #tpu.memory_space<vmem>>, %arg4: memref<128x512xf32, #tpu.memory_space<vmem>>, %arg5: memref<128x512xf32, #tpu.memory_space<vmem>>, %arg6: memref<16x512xf32, #tpu.memory_space<vmem>>, %arg7: memref<8x128xf32, #tpu.memory_space<vmem>>, %arg8: memref<128x128xf32, #tpu.memory_space<vmem>>, %arg9: memref<16x128xf32, #tpu.memory_space<vmem>>, %arg10: memref<1x512xf32, #tpu.memory_space<vmem>>, %arg11: memref<1x128xf32, #tpu.memory_space<vmem>>, %arg12: memref<640x128xf32, #tpu.memory_space<vmem>>, %arg13: memref<640x128xf32, #tpu.memory_space<vmem>>) attributes {dimension_semantics = [#tpu.dimension_semantics<arbitrary>], iteration_bounds = array<i64: 250>, scalar_prefetch = 0 : i64, scratch_operands = 0 : i64, tpu.core_type = #tpu.core_type<tc>, window_params = [{transform_indices = @transform_0, window_bounds = array<i64: 640, 128>}, {transform_indices = @transform_1, window_bounds = array<i64: 640, 128>}, {transform_indices = @transform_2, window_bounds = array<i64: 640, 16>}, {pipeline_mode = #tpu.pipeline_mode<synchronous>, transform_indices = @transform_3, window_bounds = array<i64: 128, 512>}, {pipeline_mode = #tpu.pipeline_mode<synchronous>, transform_indices = @transform_4, window_bounds = array<i64: 128, 512>}, {pipeline_mode = #tpu.pipeline_mode<synchronous>, transform_indices = @transform_5, window_bounds = array<i64: 16, 512>}, {pipeline_mode = #tpu.pipeline_mode<synchronous>, transform_indices = @transform_6, window_bounds = array<i64: 8, 128>}, {pipeline_mode = #tpu.pipeline_mode<synchronous>, transform_indices = @transform_7, window_bounds = array<i64: 128, 128>}, {pipeline_mode = #tpu.pipeline_mode<synchronous>, transform_indices = @transform_8, window_bounds = array<i64: 16, 128>}, {pipeline_mode = #tpu.pipeline_mode<synchronous>, transform_indices = @transform_9, window_bounds = array<i64: 1, 512>}, {pipeline_mode = #tpu.pipeline_mode<synchronous>, transform_indices = @transform_10, window_bounds = array<i64: 1, 128>}, {transform_indices = @transform_11, window_bounds = array<i64: 640, 128>}, {transform_indices = @transform_12, window_bounds = array<i64: 640, 128>}]} {
    %get3A = arith.constant 0 : index
    %get3A_0 = arith.constant 0 : index
    %get3A_1 = vector.load %arg1[%get3A, %get3A_0] : memref<640x128xf32, #tpu.memory_space<vmem>>, vector<640x128xf32>
    %get3A_2 = arith.constant 0 : index
    %get3A_3 = arith.constant 0 : index
    %get3A_4 = vector.load %arg2[%get3A_2, %get3A_3] : memref<640x128xf32, #tpu.memory_space<vmem>>, vector<640x128xf32>
    %get3A_5 = arith.constant 0 : index
    %get3A_6 = arith.constant 0 : index
    %get3A_7 = vector.load %arg3[%get3A_5, %get3A_6] : memref<640x16xf32, #tpu.memory_space<vmem>>, vector<640x16xf32>
    %get3A_8 = arith.constant 0 : index
    %get3A_9 = arith.constant 0 : index
    %get3A_10 = vector.load %arg4[%get3A_8, %get3A_9] : memref<128x512xf32, #tpu.memory_space<vmem>>, vector<128x512xf32>
    %dot_general3A = arith.constant dense<0.000000e+00> : vector<640x512xf32>
    %dot_general3A_11 = tpu.matmul %get3A_1, %get3A_10, %dot_general3A {dimension_numbers = #tpu.dot_dimension_numbers<[1], [0], [0], [1], [0, 0, 1, 1], [], []>, transpose_lhs_hint = false} : vector<640x128xf32>, vector<128x512xf32>, vector<640x512xf32> -> vector<640x512xf32>
    %get3A_12 = arith.constant 0 : index
    %get3A_13 = arith.constant 0 : index
    %get3A_14 = vector.load %arg5[%get3A_12, %get3A_13] : memref<128x512xf32, #tpu.memory_space<vmem>>, vector<128x512xf32>
    %dot_general3A_15 = arith.constant dense<0.000000e+00> : vector<640x512xf32>
    %dot_general3A_16 = tpu.matmul %get3A_4, %get3A_14, %dot_general3A_15 {dimension_numbers = #tpu.dot_dimension_numbers<[1], [0], [0], [1], [0, 0, 1, 1], [], []>, transpose_lhs_hint = false} : vector<640x128xf32>, vector<128x512xf32>, vector<640x512xf32> -> vector<640x512xf32>
    %add3A = arith.addf %dot_general3A_11, %dot_general3A_16 : vector<640x512xf32>
    %get3A_17 = arith.constant 0 : index
    %get3A_18 = arith.constant 0 : index
    %get3A_19 = vector.load %arg6[%get3A_17, %get3A_18] : memref<16x512xf32, #tpu.memory_space<vmem>>, vector<16x512xf32>
    %dot_general3A_20 = arith.constant dense<0.000000e+00> : vector<640x512xf32>
    %dot_general3A_21 = tpu.matmul %get3A_7, %get3A_19, %dot_general3A_20 {dimension_numbers = #tpu.dot_dimension_numbers<[1], [0], [0], [1], [0, 0, 1, 1], [], []>, transpose_lhs_hint = false} : vector<640x16xf32>, vector<16x512xf32>, vector<640x512xf32> -> vector<640x512xf32>
    %add3A_22 = arith.addf %add3A, %dot_general3A_21 : vector<640x512xf32>
    %get3A_23 = arith.constant 0 : index
    %get3A_24 = arith.constant 0 : index
    %get3A_25 = vector.load %arg10[%get3A_23, %get3A_24] : memref<1x512xf32, #tpu.memory_space<vmem>>, vector<1x512xf32>
    %add3A_26 = vector.broadcast %get3A_25 : vector<1x512xf32> to vector<640x512xf32>
    %add3A_27 = arith.addf %add3A_22, %add3A_26 : vector<640x512xf32>
    %ge3A = arith.constant 0.000000e+00 : f32
    %ge3A_28 = vector.broadcast %ge3A : f32 to vector<640x512xf32>
    %ge3A_29 = arith.cmpf oge, %add3A_27, %ge3A_28 : vector<640x512xf32>
    %mul3A = arith.constant 2.000000e-01 : f32
    %mul3A_30 = vector.broadcast %mul3A : f32 to vector<640x512xf32>
    %mul3A_31 = arith.mulf %mul3A_30, %add3A_27 : vector<640x512xf32>
    %select_n3A = arith.select %ge3A_29, %add3A_27, %mul3A_31 : vector<640x512xi1>, vector<640x512xf32>
    %get3A_32 = arith.constant 0 : index
    %get3A_33 = arith.constant 0 : index
    %get3A_34 = vector.load %arg8[%get3A_32, %get3A_33] : memref<128x128xf32, #tpu.memory_space<vmem>>, vector<128x128xf32>
    %dot_general3A_35 = arith.constant dense<0.000000e+00> : vector<640x128xf32>
    %dot_general3A_36 = tpu.matmul %get3A_4, %get3A_34, %dot_general3A_35 {dimension_numbers = #tpu.dot_dimension_numbers<[1], [0], [0], [1], [0, 0, 1, 1], [], []>, transpose_lhs_hint = false} : vector<640x128xf32>, vector<128x128xf32>, vector<640x128xf32> -> vector<640x128xf32>
    %get3A_37 = arith.constant 0 : index
    %get3A_38 = arith.constant 0 : index
    %get3A_39 = vector.load %arg9[%get3A_37, %get3A_38] : memref<16x128xf32, #tpu.memory_space<vmem>>, vector<16x128xf32>
    %dot_general3A_40 = arith.constant dense<0.000000e+00> : vector<640x128xf32>
    %dot_general3A_41 = tpu.matmul %get3A_7, %get3A_39, %dot_general3A_40 {dimension_numbers = #tpu.dot_dimension_numbers<[1], [0], [0], [1], [0, 0, 1, 1], [], []>, transpose_lhs_hint = false} : vector<640x16xf32>, vector<16x128xf32>, vector<640x128xf32> -> vector<640x128xf32>
    %add3A_42 = arith.addf %dot_general3A_36, %dot_general3A_41 : vector<640x128xf32>
    %get3A_43 = arith.constant 0 : index
    %get3A_44 = arith.constant 0 : index
    %get3A_45 = vector.load %arg11[%get3A_43, %get3A_44] : memref<1x128xf32, #tpu.memory_space<vmem>>, vector<1x128xf32>
    %add3A_46 = vector.broadcast %get3A_45 : vector<1x128xf32> to vector<640x128xf32>
    %add3A_47 = arith.addf %add3A_42, %add3A_46 : vector<640x128xf32>
    %get3A_48 = arith.constant 0 : index
    %get3A_49 = arith.constant 0 : index
    %get3A_50 = vector.load %arg7[%get3A_48, %get3A_49] : memref<8x128xf32, #tpu.memory_space<vmem>>, vector<8x128xf32>
    %slice3A = vector.extract_strided_slice %select_n3A {offsets = [0, 0], sizes = [640, 128], strides = [1, 1]} : vector<640x512xf32> to vector<640x128xf32>
    %slice3A_51 = vector.extract_strided_slice %get3A_50 {offsets = [0, 0], sizes = [1, 128], strides = [1, 1]} : vector<8x128xf32> to vector<1x128xf32>
    %squeeze3A = vector.shape_cast %slice3A_51 : vector<1x128xf32> to vector<128xf32>
    %broadcast_in_dim3A = vector.shape_cast %squeeze3A : vector<128xf32> to vector<1x128xf32>
    %mul3A_52 = vector.broadcast %broadcast_in_dim3A : vector<1x128xf32> to vector<640x128xf32>
    %mul3A_53 = arith.mulf %slice3A, %mul3A_52 : vector<640x128xf32>
    %reduce_sum3A = arith.constant dense<0.000000e+00> : vector<640xf32>
    %reduce_sum3A_54 = vector.multi_reduction <add>, %mul3A_53, %reduce_sum3A [1] : vector<640x128xf32> to vector<640xf32>
    %broadcast_in_dim3A_55 = vector.shape_cast %reduce_sum3A_54 : vector<640xf32> to vector<640x1xf32>
    %min3A = arith.constant 8.000000e+01 : f32
    %min3A_56 = vector.broadcast %min3A : f32 to vector<640x1xf32>
    %min3A_57 = arith.minimumf %broadcast_in_dim3A_55, %min3A_56 : vector<640x1xf32>
    %exp3A = math.exp %min3A_57 : vector<640x1xf32>
    %swap3A = arith.constant 0 : index
    %swap3A_58 = arith.constant 0 : index
    %swap3A_59 = vector.load %arg13[%swap3A, %swap3A_58] : memref<640x128xf32, #tpu.memory_space<vmem>>, vector<640x1xf32>
    tpu.vector_store %arg13[%swap3A, %swap3A_58], %exp3A {strides = array<i32>} : memref<640x128xf32, #tpu.memory_space<vmem>>, vector<640x1xf32>,
    %slice3A_60 = vector.extract_strided_slice %add3A_47 {offsets = [0, 0], sizes = [640, 32], strides = [1, 1]} : vector<640x128xf32> to vector<640x32xf32>
    %broadcast_in_dim3A_61 = vector.shape_cast %exp3A : vector<640x1xf32> to vector<640x1xf32>
    %broadcast_in_dim3A_62 = vector.broadcast %broadcast_in_dim3A_61 : vector<640x1xf32> to vector<640x32xf32>
    %mul3A_63 = arith.mulf %slice3A_60, %broadcast_in_dim3A_62 : vector<640x32xf32>
    %slice3A_64 = vector.extract_strided_slice %select_n3A {offsets = [0, 128], sizes = [640, 128], strides = [1, 1]} : vector<640x512xf32> to vector<640x128xf32>
    %slice3A_65 = vector.extract_strided_slice %get3A_50 {offsets = [1, 0], sizes = [1, 128], strides = [1, 1]} : vector<8x128xf32> to vector<1x128xf32>
    %squeeze3A_66 = vector.shape_cast %slice3A_65 : vector<1x128xf32> to vector<128xf32>
    %broadcast_in_dim3A_67 = vector.shape_cast %squeeze3A_66 : vector<128xf32> to vector<1x128xf32>
    %mul3A_68 = vector.broadcast %broadcast_in_dim3A_67 : vector<1x128xf32> to vector<640x128xf32>
    %mul3A_69 = arith.mulf %slice3A_64, %mul3A_68 : vector<640x128xf32>
    %reduce_sum3A_70 = arith.constant dense<0.000000e+00> : vector<640xf32>
    %reduce_sum3A_71 = vector.multi_reduction <add>, %mul3A_69, %reduce_sum3A_70 [1] : vector<640x128xf32> to vector<640xf32>
    %broadcast_in_dim3A_72 = vector.shape_cast %reduce_sum3A_71 : vector<640xf32> to vector<640x1xf32>
    %min3A_73 = arith.constant 8.000000e+01 : f32
    %min3A_74 = vector.broadcast %min3A_73 : f32 to vector<640x1xf32>
    %min3A_75 = arith.minimumf %broadcast_in_dim3A_72, %min3A_74 : vector<640x1xf32>
    %exp3A_76 = math.exp %min3A_75 : vector<640x1xf32>
    %swap3A_77 = arith.constant 0 : index
    %swap3A_78 = arith.constant 1 : index
    %swap3A_79 = vector.load %arg13[%swap3A_77, %swap3A_78] : memref<640x128xf32, #tpu.memory_space<vmem>>, vector<640x1xf32>
    tpu.vector_store %arg13[%swap3A_77, %swap3A_78], %exp3A_76 {strides = array<i32>} : memref<640x128xf32, #tpu.memory_space<vmem>>, vector<640x1xf32>,
    %slice3A_80 = vector.extract_strided_slice %add3A_47 {offsets = [0, 32], sizes = [640, 32], strides = [1, 1]} : vector<640x128xf32> to vector<640x32xf32>
    %broadcast_in_dim3A_81 = vector.shape_cast %exp3A_76 : vector<640x1xf32> to vector<640x1xf32>
    %broadcast_in_dim3A_82 = vector.broadcast %broadcast_in_dim3A_81 : vector<640x1xf32> to vector<640x32xf32>
    %mul3A_83 = arith.mulf %slice3A_80, %broadcast_in_dim3A_82 : vector<640x32xf32>
    %slice3A_84 = vector.extract_strided_slice %select_n3A {offsets = [0, 256], sizes = [640, 128], strides = [1, 1]} : vector<640x512xf32> to vector<640x128xf32>
    %slice3A_85 = vector.extract_strided_slice %get3A_50 {offsets = [2, 0], sizes = [1, 128], strides = [1, 1]} : vector<8x128xf32> to vector<1x128xf32>
    %squeeze3A_86 = vector.shape_cast %slice3A_85 : vector<1x128xf32> to vector<128xf32>
    %broadcast_in_dim3A_87 = vector.shape_cast %squeeze3A_86 : vector<128xf32> to vector<1x128xf32>
    %mul3A_88 = vector.broadcast %broadcast_in_dim3A_87 : vector<1x128xf32> to vector<640x128xf32>
    %mul3A_89 = arith.mulf %slice3A_84, %mul3A_88 : vector<640x128xf32>
    %reduce_sum3A_90 = arith.constant dense<0.000000e+00> : vector<640xf32>
    %reduce_sum3A_91 = vector.multi_reduction <add>, %mul3A_89, %reduce_sum3A_90 [1] : vector<640x128xf32> to vector<640xf32>
    %broadcast_in_dim3A_92 = vector.shape_cast %reduce_sum3A_91 : vector<640xf32> to vector<640x1xf32>
    %min3A_93 = arith.constant 8.000000e+01 : f32
    %min3A_94 = vector.broadcast %min3A_93 : f32 to vector<640x1xf32>
    %min3A_95 = arith.minimumf %broadcast_in_dim3A_92, %min3A_94 : vector<640x1xf32>
    %exp3A_96 = math.exp %min3A_95 : vector<640x1xf32>
    %swap3A_97 = arith.constant 0 : index
    %swap3A_98 = arith.constant 2 : index
    %swap3A_99 = vector.load %arg13[%swap3A_97, %swap3A_98] : memref<640x128xf32, #tpu.memory_space<vmem>>, vector<640x1xf32>
    tpu.vector_store %arg13[%swap3A_97, %swap3A_98], %exp3A_96 {strides = array<i32>} : memref<640x128xf32, #tpu.memory_space<vmem>>, vector<640x1xf32>,
    %slice3A_100 = vector.extract_strided_slice %add3A_47 {offsets = [0, 64], sizes = [640, 32], strides = [1, 1]} : vector<640x128xf32> to vector<640x32xf32>
    %broadcast_in_dim3A_101 = vector.shape_cast %exp3A_96 : vector<640x1xf32> to vector<640x1xf32>
    %broadcast_in_dim3A_102 = vector.broadcast %broadcast_in_dim3A_101 : vector<640x1xf32> to vector<640x32xf32>
    %mul3A_103 = arith.mulf %slice3A_100, %broadcast_in_dim3A_102 : vector<640x32xf32>
    %slice3A_104 = vector.extract_strided_slice %select_n3A {offsets = [0, 384], sizes = [640, 128], strides = [1, 1]} : vector<640x512xf32> to vector<640x128xf32>
    %slice3A_105 = vector.extract_strided_slice %get3A_50 {offsets = [3, 0], sizes = [1, 128], strides = [1, 1]} : vector<8x128xf32> to vector<1x128xf32>
    %squeeze3A_106 = vector.shape_cast %slice3A_105 : vector<1x128xf32> to vector<128xf32>
    %broadcast_in_dim3A_107 = vector.shape_cast %squeeze3A_106 : vector<128xf32> to vector<1x128xf32>
    %mul3A_108 = vector.broadcast %broadcast_in_dim3A_107 : vector<1x128xf32> to vector<640x128xf32>
    %mul3A_109 = arith.mulf %slice3A_104, %mul3A_108 : vector<640x128xf32>
    %reduce_sum3A_110 = arith.constant dense<0.000000e+00> : vector<640xf32>
    %reduce_sum3A_111 = vector.multi_reduction <add>, %mul3A_109, %reduce_sum3A_110 [1] : vector<640x128xf32> to vector<640xf32>
    %broadcast_in_dim3A_112 = vector.shape_cast %reduce_sum3A_111 : vector<640xf32> to vector<640x1xf32>
    %min3A_113 = arith.constant 8.000000e+01 : f32
    %min3A_114 = vector.broadcast %min3A_113 : f32 to vector<640x1xf32>
    %min3A_115 = arith.minimumf %broadcast_in_dim3A_112, %min3A_114 : vector<640x1xf32>
    %exp3A_116 = math.exp %min3A_115 : vector<640x1xf32>
    %swap3A_117 = arith.constant 0 : index
    %swap3A_118 = arith.constant 3 : index
    %swap3A_119 = vector.load %arg13[%swap3A_117, %swap3A_118] : memref<640x128xf32, #tpu.memory_space<vmem>>, vector<640x1xf32>
    tpu.vector_store %arg13[%swap3A_117, %swap3A_118], %exp3A_116 {strides = array<i32>} : memref<640x128xf32, #tpu.memory_space<vmem>>, vector<640x1xf32>,
    %slice3A_120 = vector.extract_strided_slice %add3A_47 {offsets = [0, 96], sizes = [640, 32], strides = [1, 1]} : vector<640x128xf32> to vector<640x32xf32>
    %broadcast_in_dim3A_121 = vector.shape_cast %exp3A_116 : vector<640x1xf32> to vector<640x1xf32>
    %broadcast_in_dim3A_122 = vector.broadcast %broadcast_in_dim3A_121 : vector<640x1xf32> to vector<640x32xf32>
    %mul3A_123 = arith.mulf %slice3A_120, %broadcast_in_dim3A_122 : vector<640x32xf32>
    %broadcast_in_dim3A_124 = arith.constant 0.000000e+00 : f32
    %broadcast_in_dim3A_125 = vector.broadcast %broadcast_in_dim3A_124 : f32 to vector<640x124xf32>
    %swap3A_126 = arith.constant 0 : index
    %swap3A_127 = arith.constant 4 : index
    %swap3A_128 = vector.load %arg13[%swap3A_126, %swap3A_127] : memref<640x128xf32, #tpu.memory_space<vmem>>, vector<640x124xf32>
    tpu.vector_store %arg13[%swap3A_126, %swap3A_127], %broadcast_in_dim3A_125 {strides = array<i32>} : memref<640x128xf32, #tpu.memory_space<vmem>>, vector<640x124xf32>,
    %concatenate3A = tpu.concatenate %mul3A_63, %mul3A_83, %mul3A_103, %mul3A_123 in 1 : vector<640x32xf32>, vector<640x32xf32>, vector<640x32xf32>, vector<640x32xf32> -> vector<640x128xf32>
    %swap3A_129 = arith.constant 0 : index
    %swap3A_130 = arith.constant 0 : index
    %swap3A_131 = vector.load %arg12[%swap3A_129, %swap3A_130] : memref<640x128xf32, #tpu.memory_space<vmem>>, vector<640x128xf32>
    tpu.vector_store %arg12[%swap3A_129, %swap3A_130], %concatenate3A {strides = array<i32>} : memref<640x128xf32, #tpu.memory_space<vmem>>, vector<640x128xf32>,
    return
  }
  func.func @transform_0(%arg0: i32) -> (i32, i32) {
    %c0_i32 = arith.constant 0 : i32
    %c0_i32_0 = arith.constant 0 : i32
    return %arg0, %c0_i32 : i32, i32
  }
  func.func @transform_1(%arg0: i32) -> (i32, i32) {
    %add3A = arith.constant 250 : i32
    %add3A_0 = arith.addi %arg0, %add3A : i32
    %c0_i32 = arith.constant 0 : i32
    %c0_i32_1 = arith.constant 0 : i32
    return %add3A_0, %c0_i32 : i32, i32
  }
  func.func @transform_2(%arg0: i32) -> (i32, i32) {
    %c0_i32 = arith.constant 0 : i32
    %c0_i32_0 = arith.constant 0 : i32
    return %arg0, %c0_i32 : i32, i32
  }
  func.func @transform_3(%arg0: i32) -> (i32, i32) {
    %c0_i32 = arith.constant 0 : i32
    %c0_i32_0 = arith.constant 0 : i32
    %c0_i32_1 = arith.constant 0 : i32
    return %c0_i32, %c0_i32_0 : i32, i32
  }
  func.func @transform_4(%arg0: i32) -> (i32, i32) {
    %c0_i32 = arith.constant 0 : i32
    %c0_i32_0 = arith.constant 0 : i32
    %c0_i32_1 = arith.constant 0 : i32
    return %c0_i32, %c0_i32_0 : i32, i32
  }
  func.func @transform_5(%arg0: i32) -> (i32, i32) {
    %c0_i32 = arith.constant 0 : i32
    %c0_i32_0 = arith.constant 0 : i32
    %c0_i32_1 = arith.constant 0 : i32
    return %c0_i32, %c0_i32_0 : i32, i32
  }
  func.func @transform_6(%arg0: i32) -> (i32, i32) {
    %c0_i32 = arith.constant 0 : i32
    %c0_i32_0 = arith.constant 0 : i32
    %c0_i32_1 = arith.constant 0 : i32
    return %c0_i32, %c0_i32_0 : i32, i32
  }
  func.func @transform_7(%arg0: i32) -> (i32, i32) {
    %c0_i32 = arith.constant 0 : i32
    %c0_i32_0 = arith.constant 0 : i32
    %c0_i32_1 = arith.constant 0 : i32
    return %c0_i32, %c0_i32_0 : i32, i32
  }
  func.func @transform_8(%arg0: i32) -> (i32, i32) {
    %c0_i32 = arith.constant 0 : i32
    %c0_i32_0 = arith.constant 0 : i32
    %c0_i32_1 = arith.constant 0 : i32
    return %c0_i32, %c0_i32_0 : i32, i32
  }
  func.func @transform_9(%arg0: i32) -> (i32, i32) {
    %c0_i32 = arith.constant 0 : i32
    %c0_i32_0 = arith.constant 0 : i32
    %c0_i32_1 = arith.constant 0 : i32
    return %c0_i32, %c0_i32_0 : i32, i32
  }
  func.func @transform_10(%arg0: i32) -> (i32, i32) {
    %c0_i32 = arith.constant 0 : i32
    %c0_i32_0 = arith.constant 0 : i32
    %c0_i32_1 = arith.constant 0 : i32
    return %c0_i32, %c0_i32_0 : i32, i32
  }
  func.func @transform_11(%arg0: i32) -> (i32, i32) {
    %c0_i32 = arith.constant 0 : i32
    %c0_i32_0 = arith.constant 0 : i32
    return %arg0, %c0_i32 : i32, i32
  }
  func.func @transform_12(%arg0: i32) -> (i32, i32) {
    %c0_i32 = arith.constant 0 : i32
    %c0_i32_0 = arith.constant 0 : i32
    return %arg0, %c0_i32 : i32, i32
  }
}

module attributes {stable_mosaic.version = 14 : i64} {
  func.func @_final_body(%arg0: i32, %arg1: memref<2x400x128xf32, #tpu.memory_space<vmem>>, %arg2: memref<2x400x128xf32, #tpu.memory_space<vmem>>, %arg3: memref<128x128xf32, #tpu.memory_space<vmem>>, %arg4: memref<1x128xf32, #tpu.memory_space<vmem>>, %arg5: memref<400x128xf32, #tpu.memory_space<vmem>>) attributes {dimension_semantics = [#tpu.dimension_semantics<arbitrary>], iteration_bounds = array<i64: 25>, scalar_prefetch = 0 : i64, scratch_operands = 0 : i64, tpu.core_type = #tpu.core_type<tc>, window_params = [{transform_indices = @transform_0, window_bounds = array<i64: 2, 400, 128>}, {transform_indices = @transform_1, window_bounds = array<i64: 2, 400, 128>}, {pipeline_mode = #tpu.pipeline_mode<synchronous>, transform_indices = @transform_2, window_bounds = array<i64: 128, 128>}, {pipeline_mode = #tpu.pipeline_mode<synchronous>, transform_indices = @transform_3, window_bounds = array<i64: 1, 128>}, {transform_indices = @transform_4, window_bounds = array<i64: 400, 128>}]} {
    %get3A = arith.constant 0 : index
    %get3A_0 = arith.constant 0 : index
    %get3A_1 = arith.constant 0 : index
    %get3A_2 = vector.load %arg1[%get3A, %get3A_0, %get3A_1] : memref<2x400x128xf32, #tpu.memory_space<vmem>>, vector<2x400x128xf32>
    %get3A_3 = arith.constant 0 : index
    %get3A_4 = arith.constant 0 : index
    %get3A_5 = arith.constant 0 : index
    %get3A_6 = vector.load %arg2[%get3A_3, %get3A_4, %get3A_5] : memref<2x400x128xf32, #tpu.memory_space<vmem>>, vector<2x400x128xf32>
    %slice3A = vector.extract_strided_slice %get3A_2 {offsets = [0, 0, 0], sizes = [1, 400, 128], strides = [1, 1, 1]} : vector<2x400x128xf32> to vector<1x400x128xf32>
    %squeeze3A = vector.shape_cast %slice3A : vector<1x400x128xf32> to vector<400x128xf32>
    %slice3A_7 = vector.extract_strided_slice %get3A_2 {offsets = [1, 0, 0], sizes = [1, 400, 128], strides = [1, 1, 1]} : vector<2x400x128xf32> to vector<1x400x128xf32>
    %squeeze3A_8 = vector.shape_cast %slice3A_7 : vector<1x400x128xf32> to vector<400x128xf32>
    %add3A = arith.addf %squeeze3A, %squeeze3A_8 : vector<400x128xf32>
    %slice3A_9 = vector.extract_strided_slice %get3A_6 {offsets = [0, 0, 0], sizes = [1, 400, 128], strides = [1, 1, 1]} : vector<2x400x128xf32> to vector<1x400x128xf32>
    %squeeze3A_10 = vector.shape_cast %slice3A_9 : vector<1x400x128xf32> to vector<400x128xf32>
    %slice3A_11 = vector.extract_strided_slice %get3A_6 {offsets = [1, 0, 0], sizes = [1, 400, 128], strides = [1, 1, 1]} : vector<2x400x128xf32> to vector<1x400x128xf32>
    %squeeze3A_12 = vector.shape_cast %slice3A_11 : vector<1x400x128xf32> to vector<400x128xf32>
    %add3A_13 = arith.addf %squeeze3A_10, %squeeze3A_12 : vector<400x128xf32>
    %slice3A_14 = vector.extract_strided_slice %add3A {offsets = [0, 0], sizes = [400, 32], strides = [1, 1]} : vector<400x128xf32> to vector<400x32xf32>
    %slice3A_15 = vector.extract_strided_slice %add3A_13 {offsets = [0, 0], sizes = [400, 1], strides = [1, 1]} : vector<400x128xf32> to vector<400x1xf32>
    %add3A_16 = arith.constant 1.000000e-16 : f32
    %add3A_17 = vector.broadcast %add3A_16 : f32 to vector<400x1xf32>
    %add3A_18 = arith.addf %slice3A_15, %add3A_17 : vector<400x1xf32>
    %div3A = vector.broadcast %add3A_18 : vector<400x1xf32> to vector<400x32xf32>
    %div3A_19 = arith.divf %slice3A_14, %div3A : vector<400x32xf32>
    %slice3A_20 = vector.extract_strided_slice %add3A {offsets = [0, 32], sizes = [400, 32], strides = [1, 1]} : vector<400x128xf32> to vector<400x32xf32>
    %slice3A_21 = vector.extract_strided_slice %add3A_13 {offsets = [0, 1], sizes = [400, 1], strides = [1, 1]} : vector<400x128xf32> to vector<400x1xf32>
    %add3A_22 = arith.constant 1.000000e-16 : f32
    %add3A_23 = vector.broadcast %add3A_22 : f32 to vector<400x1xf32>
    %add3A_24 = arith.addf %slice3A_21, %add3A_23 : vector<400x1xf32>
    %div3A_25 = vector.broadcast %add3A_24 : vector<400x1xf32> to vector<400x32xf32>
    %div3A_26 = arith.divf %slice3A_20, %div3A_25 : vector<400x32xf32>
    %slice3A_27 = vector.extract_strided_slice %add3A {offsets = [0, 64], sizes = [400, 32], strides = [1, 1]} : vector<400x128xf32> to vector<400x32xf32>
    %slice3A_28 = vector.extract_strided_slice %add3A_13 {offsets = [0, 2], sizes = [400, 1], strides = [1, 1]} : vector<400x128xf32> to vector<400x1xf32>
    %add3A_29 = arith.constant 1.000000e-16 : f32
    %add3A_30 = vector.broadcast %add3A_29 : f32 to vector<400x1xf32>
    %add3A_31 = arith.addf %slice3A_28, %add3A_30 : vector<400x1xf32>
    %div3A_32 = vector.broadcast %add3A_31 : vector<400x1xf32> to vector<400x32xf32>
    %div3A_33 = arith.divf %slice3A_27, %div3A_32 : vector<400x32xf32>
    %slice3A_34 = vector.extract_strided_slice %add3A {offsets = [0, 96], sizes = [400, 32], strides = [1, 1]} : vector<400x128xf32> to vector<400x32xf32>
    %slice3A_35 = vector.extract_strided_slice %add3A_13 {offsets = [0, 3], sizes = [400, 1], strides = [1, 1]} : vector<400x128xf32> to vector<400x1xf32>
    %add3A_36 = arith.constant 1.000000e-16 : f32
    %add3A_37 = vector.broadcast %add3A_36 : f32 to vector<400x1xf32>
    %add3A_38 = arith.addf %slice3A_35, %add3A_37 : vector<400x1xf32>
    %div3A_39 = vector.broadcast %add3A_38 : vector<400x1xf32> to vector<400x32xf32>
    %div3A_40 = arith.divf %slice3A_34, %div3A_39 : vector<400x32xf32>
    %concatenate3A = tpu.concatenate %div3A_19, %div3A_26, %div3A_33, %div3A_40 in 1 : vector<400x32xf32>, vector<400x32xf32>, vector<400x32xf32>, vector<400x32xf32> -> vector<400x128xf32>
    %get3A_41 = arith.constant 0 : index
    %get3A_42 = arith.constant 0 : index
    %get3A_43 = vector.load %arg3[%get3A_41, %get3A_42] : memref<128x128xf32, #tpu.memory_space<vmem>>, vector<128x128xf32>
    %dot_general3A = arith.constant dense<0.000000e+00> : vector<400x128xf32>
    %dot_general3A_44 = tpu.matmul %concatenate3A, %get3A_43, %dot_general3A {dimension_numbers = #tpu.dot_dimension_numbers<[1], [0], [0], [1], [0, 0, 1, 1], [], []>, transpose_lhs_hint = false} : vector<400x128xf32>, vector<128x128xf32>, vector<400x128xf32> -> vector<400x128xf32>
    %get3A_45 = arith.constant 0 : index
    %get3A_46 = arith.constant 0 : index
    %get3A_47 = vector.load %arg4[%get3A_45, %get3A_46] : memref<1x128xf32, #tpu.memory_space<vmem>>, vector<1x128xf32>
    %add3A_48 = vector.broadcast %get3A_47 : vector<1x128xf32> to vector<400x128xf32>
    %add3A_49 = arith.addf %dot_general3A_44, %add3A_48 : vector<400x128xf32>
    %swap3A = arith.constant 0 : index
    %swap3A_50 = arith.constant 0 : index
    %swap3A_51 = vector.load %arg5[%swap3A, %swap3A_50] : memref<400x128xf32, #tpu.memory_space<vmem>>, vector<400x128xf32>
    tpu.vector_store %arg5[%swap3A, %swap3A_50], %add3A_49 {strides = array<i32>} : memref<400x128xf32, #tpu.memory_space<vmem>>, vector<400x128xf32>,
    return
  }
  func.func @transform_0(%arg0: i32) -> (i32, i32, i32) {
    %c0_i32 = arith.constant 0 : i32
    %c0_i32_0 = arith.constant 0 : i32
    %c0_i32_1 = arith.constant 0 : i32
    return %c0_i32, %arg0, %c0_i32_0 : i32, i32, i32
  }
  func.func @transform_1(%arg0: i32) -> (i32, i32, i32) {
    %c0_i32 = arith.constant 0 : i32
    %c0_i32_0 = arith.constant 0 : i32
    %c0_i32_1 = arith.constant 0 : i32
    return %c0_i32, %arg0, %c0_i32_0 : i32, i32, i32
  }
  func.func @transform_2(%arg0: i32) -> (i32, i32) {
    %c0_i32 = arith.constant 0 : i32
    %c0_i32_0 = arith.constant 0 : i32
    %c0_i32_1 = arith.constant 0 : i32
    return %c0_i32, %c0_i32_0 : i32, i32
  }
  func.func @transform_3(%arg0: i32) -> (i32, i32) {
    %c0_i32 = arith.constant 0 : i32
    %c0_i32_0 = arith.constant 0 : i32
    %c0_i32_1 = arith.constant 0 : i32
    return %c0_i32, %c0_i32_0 : i32, i32
  }
  func.func @transform_4(%arg0: i32) -> (i32, i32) {
    %c0_i32 = arith.constant 0 : i32
    %c0_i32_0 = arith.constant 0 : i32
    return %arg0, %c0_i32 : i32, i32
  }
}

</mosaic_0001>

<sc_bundles>
// kernel: kernel.10.cloned.1.call-start
scs
__scs_entry_jumppad:
0x0: {  	(pc) =	sbr.rel $0x88, $3  }
0x1: {  	(tag) =	ssettag $0x0;
	lr =	simm.s32 $0x1  }
0x2: {  	[smem:$0x3F93] =	sst lr;
	_ =	strace $0xD0000000  }
0x3: {  	_ = 	snop  }
0x4: {  	_ = 	snop  }
0x5: {  	_ = 	snop  }
0x6: {  	_ = 	snop  }
0x7: {  	_ = 	snop  }
__scs_overlays_trampoline_lowered:
0x8: {  	[smem:$0x3FA2] =	sst s0  }
0x9: {  	[smem:$0x3FA3] =	sst s1  }
0xa: {  	[smem:$0x3FA4] =	sst s2  }
0xb: {  	[smem:$0x3FA5] =	sst s3  }
0xc: {  	[smem:$0x3FA6] =	sst s4  }
0xd: {  	[smem:$0x3FA7] =	sst s5  }
0xe: {  	[smem:$0x3FA8] =	sst s6  }
0xf: {  	[smem:$0x3FA9] =	sst s7  }
0x10: {  	[smem:$0x3FAA] =	sst s8  }
0x11: {  	[smem:$0x3FAB] =	sst s9;
	s0 =	simm.s32 @!p0 $0x0  }
0x12: {  	s1 =	sld [smem:$0x3F91];
	s0 =	simm.s32 @p0 $0x1  }
0x13: {  	[smem:$0x3FAC] =	sst s0;
	s0 =	simm.s32 @!p1 $0x0  }
0x14: {  	s2 =	sld [smem:$0x3F90];
	s0 =	simm.s32 @p1 $0x1  }
0x15: {  	[smem:$0x3FAD] =	sst s0;
	s0 =	simm.s32 @!p2 $0x0  }
0x16: {  	s3 =	sld [smem:$0x3FDB];
	s0 =	simm.s32 @p2 $0x1  }
0x17: {  	s4 =	simm.s32 $0x1BF5;
	[smem:$0x3FAF] =	sst s0  }
0x18: {  	s0 =	sld [smem:$0x3F92];
	_ =	swait.ge [sflag:s4], $0x0  }
0x19: {  	s7 =	sld [smem:$0x3F93]  }
0x1a: {  	s8 =	sadd.s32 $0xFFFFE003, lr  }
0x1b: {  	s9 =	sadd.s32 $0xFFFFFEF7, lr;
	s5 =	simm.s32 $0xFFFFFFFF;
	p2 =	slt.u32 s8, $0xFFFFF086  }
0x1c: {  	p1 =	slt.u32 s9, $0xF7A;
	s5 =	simm.s32 @!p2 $0x0  }
0x1d: {  	s5 =	simm.s32 @p1 $0x1;
	p0 =	seq.s32 s7, s2  }
0x1e: {  	s7 =	smul.u32 @!p0 $0xF7A, s2;
	p2 =	seq.s32 @!p0 s5, $0x0  }
0x1f: {  	s9 =	smul.u32 $0xF7A, s1;
	s8 =	simm.s32 @!p0 $0x1BF5;
	p2 =	por !p2, p0  }
0x20: {  	[sflag:s8] =	ssyncset.s32 @!p0 $0xFFFFF086;
	s6 =	sadd.s32 @!p0 s3, s7;
	s7 =	simm.s32 @!p0 $0x108  }
0x21: {  	s3 =	sadd.s32 s3, s9;
	s6 =	sadd.s32 @!p0 $0x88, s6;
	s7 =	simm.s32 @p2 $0x1082  }
0x22: {  	[simem:s7], [sflag:s8] =	dma.local @!p0 [hbm:s6], $0xF7A  }
0x23: {  	s9 =	sor.u32 $0xD0000000, s2;
	s6 =	simm.s32 $0x108;
	_ =	swait.ge @!p0 [sflag:s8], $0x0  }
0x24: {  	s3 =	sadd.s32 $0x88, s3;
	s6 =	simm.s32 @!p1 $0x1082;
	[sflag:s4] =	ssyncset.s32 $0xFFFFF086  }
0x25: {  	[simem:s6], [sflag:s4] =	dma.local [hbm:s3], $0xF7A  }
0x26: {  	[smem:$0x3F93] =	sst s1;
	(tag) =	ssettag s2;
	_ =	strace s9  }
0x27: {  	s1 =	sld [smem:$0x3FA3]  }
0x28: {  	s2 =	sld [smem:$0x3FA4]  }
0x29: {  	s4 =	sld [smem:$0x3FA6]  }
0x2a: {  	p0 =	seq.s32 s5, $0x0;
	s5 =	sld [smem:$0x3FA7]  }
0x2b: {  	s6 =	sld [smem:$0x3FA8]  }
0x2c: {  	s7 =	sld [smem:$0x3FA9]  }
0x2d: {  	s3 =	simm.s32 $0x108;
	s8 =	sld [smem:$0x3FAA]  }
0x2e: {  	s3 =	simm.s32 @!p0 $0x1082;
	s9 =	sld [smem:$0x3FAB]  }
0x2f: {  	lr =	sadd.s32 s0, s3;
	s0 =	sld [smem:$0x3FA2]  }
0x30: {  	s3 =	sld [smem:$0x3FA5]  }
0x31: {  	[smem:$0x3FAE] =	sst s10  }
0x32: {  	s10 =	sld [smem:$0x3FAC];
	_ =	sdelay $0x3  }
0x33: {  	p0 =	seq.s32 s10, $0x1;
	s10 =	sld [smem:$0x3FAE];
	_ =	sdelay $0x3  }
0x34: {  	[smem:$0x3FAE] =	sst s10  }
0x35: {  	s10 =	sld [smem:$0x3FAD];
	_ =	sdelay $0x3  }
0x36: {  	p1 =	seq.s32 s10, $0x1;
	s10 =	sld [smem:$0x3FAE];
	_ =	sdelay $0x3  }
0x37: {  	[smem:$0x3FAE] =	sst s10  }
0x38: {  	s10 =	sld [smem:$0x3FAF]  }
0x39: {  	_ = 	snop;
	(pc) =	sbr.ind lr, $3  }
0x3a: {  	_ = 	snop  }
0x3b: {  	_ = 	snop  }
0x3c: {  	p2 =	seq.s32 s10, $0x1;
	s10 =	sld [smem:$0x3FAE]  }
0x3d: {  	_ =	shalt  }
0x3e: {  	_ =	shalt  }
0x3f: {  	_ =	shalt  }
0x40: {  	_ =	shalt  }
0x41: {  	_ =	shalt  }
0x42: {  	_ =	shalt  }
0x43: {  	_ =	shalt  }
0x44: {  	_ =	shalt  }
0x45: {  	_ =	shalt  }
0x46: {  	_ =	shalt  }
0x47: {  	_ =	shalt  }
0x48: {  	_ =	shalt  }
0x49: {  	_ =	shalt  }
0x4a: {  	_ =	shalt  }
0x4b: {  	_ =	shalt  }
0x4c: {  	_ =	shalt  }
0x4d: {  	_ =	shalt  }
0x4e: {  	_ =	shalt  }
0x4f: {  	_ =	shalt  }
0x50: {  	_ =	shalt  }
0x51: {  	_ =	shalt  }
0x52: {  	_ =	shalt  }
0x53: {  	_ =	shalt  }
0x54: {  	_ =	shalt  }
0x55: {  	_ =	shalt  }
0x56: {  	_ =	shalt  }
0x57: {  	_ =	shalt  }
0x58: {  	_ =	shalt  }
0x59: {  	_ =	shalt  }
0x5a: {  	_ =	shalt  }
0x5b: {  	_ =	shalt  }
0x5c: {  	_ =	shalt  }
0x5d: {  	_ =	shalt  }
0x5e: {  	_ =	shalt  }
0x5f: {  	_ =	shalt  }
0x60: {  	_ =	shalt  }
0x61: {  	_ =	shalt  }
0x62: {  	_ =	shalt  }
0x63: {  	_ =	shalt  }
0x64: {  	_ =	shalt  }
0x65: {  	_ =	shalt  }
0x66: {  	_ =	shalt  }
0x67: {  	_ =	shalt  }
0x68: {  	_ =	shalt  }
0x69: {  	_ =	shalt  }
0x6a: {  	_ =	shalt  }
0x6b: {  	_ =	shalt  }
0x6c: {  	_ =	shalt  }
0x6d: {  	_ =	shalt  }
0x6e: {  	_ =	shalt  }
0x6f: {  	_ =	shalt  }
0x70: {  	_ =	shalt  }
0x71: {  	_ =	shalt  }
0x72: {  	_ =	shalt  }
0x73: {  	_ =	shalt  }
0x74: {  	_ =	shalt  }
0x75: {  	_ =	shalt  }
0x76: {  	_ =	shalt  }
0x77: {  	_ =	shalt  }
0x78: {  	_ =	shalt  }
0x79: {  	_ =	shalt  }
0x7a: {  	_ =	shalt  }
0x7b: {  	_ =	shalt  }
0x7c: {  	_ =	shalt  }
0x7d: {  	_ =	shalt  }
0x7e: {  	_ =	shalt  }
0x7f: {  	_ =	shalt  }
0x80: {  	_ =	shalt  }
0x81: {  	_ =	shalt  }
0x82: {  	_ =	shalt  }
0x83: {  	_ =	shalt  }
0x84: {  	_ =	shalt  }
0x85: {  	_ =	shalt  }
0x86: {  	_ =	shalt  }
0x87: {  	_ =	shalt  }
.Lfunc_end0:
.L_simem_size_0:
called_computation.1_lowered:
.L_overlay_start_0:
0x88: {  	s2 =	sld [smem:$0x3FD9]  }
0x89: {  	s3 =	sld [smem:$0x3FFE];
	_ =	sdelay $0x1  }
0x8a: {  	s1 =	srdreg.scid  }
0x8b: {  	s0 =	sand.u32 $0x1, s1  }
0x8c: {  	s16 =	sshll.u32 s0, $0xA;
	s2 =	sadd.s32 s3, s2  }
0x8d: {  	s2 =	sadd.s32 s2, s16  }
0x8e: {  	[smem:$0x3FBA] =	sst s2  }
0x8f: {  	_ = 	snop  }
0x90: {  	(tm) =	ssettm $0x1  }
0x91: {  	s17 =	sld [smem:$0x3FFB];
	_ =	sdelay $0x3  }
0x92: {  	_ =	strace s17  }
0x93: {  	s2 =	sld [smem:$0x3FFC];
	_ =	sdelay $0x3  }
0x94: {  	_ =	strace s2  }
0x95: {  	s2 =	sld [smem:$0x3FFD];
	_ =	sdelay $0x3  }
0x96: {  	_ =	strace s2  }
0x97: {  	_ =	strace $0x8FFFFFFF  }
0x98: {  	s18 =	sld [smem:$0x3FDB];
	_ =	sdelay $0x1  }
0x99: {  	s19 =	simm.s32 $_scs_section_size  }
0x9a: {  	s4 =	simm.s32 $_size__tile_overlayer_lowered;
	s5 =	simm.s32 $_tile_overlayer_lowered  }
0x9b: {  	s22 =	simm.s32 $0x1BFF;
	s21 =	sshll.u32 s5, $0x1;
	s2 =	sadd.s32 s19, s18  }
0x9c: {  	s6 =	simm.s32 $0x0;
	s20 =	sshll.u32 s4, $0x1;
	s4 =	sadd.s32 s21, s2  }
0x9d: {  	[timem:s6], [sflag:s22] =	dma.local [hbm:s4], s20  }
0x9e: {  	_ =	swait.ge [sflag:s22], s20  }
0x9f: {  	s3 =	ssub.s32 $0x0, s20;
	[sflag:s22] =	ssyncset.done $0x0  }
0xa0: {  	[sflag:s22] =	ssyncadd.s32 s3;
	_ =	sdelay $0x1  }
0xa1: {  	s23 =	simm.s32 $0x1B8B  }
0xa2: {  	_ =	swait.ge [sflag:s23], $0x1  }
0xa3: {  	[sflag:s23] =	ssyncset.done $0x0  }
0xa4: {  	s25 =	simm.s32 $0x1B8E;
	s24 =	sld [smem:$0x3FFE];
	[sflag:s23] =	ssyncadd.s32 $0xFFFFFFFF  }
0xa5: {  	s26 =	simm.s32 $execute0_lowered;
	[smem:$0x3FD2] =	sst s25  }
0xa6: {  	s4 =	sshll.u32 s26, $0x1;
	_ =	strace $0x80000049;
	[dreg:$0x1] =	wrdreg $0xFFFFFFFF  }
0xa7: {  	s28 =	simm.s32 $_size_execute0_lowered;
	s2 =	sadd.s32 s2, s4;
	[dreg:$0x0] =	wrdreg $0x0  }
0xa8: {  	s4 =	sshll.u32 s28, $0x1;
	[dreg:$0x2] =	wrdreg s2  }
0xa9: {  	[dreg:$0x3] =	wrdreg s4  }
0xaa: {  	[dreg:$0x4] =	wrdreg $0xC0  }
0xab: {  	_ =	task [dreg:s6], $0x5FFFF  }
0xac: {  	[dreg:$0x1] =	wrdreg $0xFFFFFFFF  }
0xad: {  	[dreg:$0x0] =	wrdreg $0x60  }
0xae: {  	[dreg:$0x2] =	wrdreg s24  }
0xaf: {  	[dreg:$0x3] =	wrdreg $0x0  }
0xb0: {  	[dreg:$0x4] =	wrdreg $0x9  }
0xb1: {  	_ =	task.clear_ibuf [dreg:s6], $0x5FFFF;
	_ =	strace $0x90000049  }
0xb2: {  	s29 =	simm.s32 $0x9;
	_ =	strace $0x8000004B  }
0xb3: {  	_ =	swait.ge [sflag:s29], $0x1  }
0xb4: {  	[sflag:s29] =	ssyncadd.s32 $0xFFFFFFFF  }
0xb5: {  	_ =	strace $0x9000004B  }
0xb6: {  	_ =	sfence  }
0xb7: {  	s30 =	sld [smem:$0x0];
	_ =	sdelay $0x2  }
0xb8: {  	s31 =	sshll.u32 s1, $0xD;
	s1 =	sshrl.u32 s1, $0x2  }
0xb9: {  	s3 =	sand.u32 $0x4000, s31;
	s1 =	sadd.s32 s1, s30  }
0xba: {  	s0 =	sor.u32 s3, s0;
	s1 =	sshll.u32 s1, $0x11  }
0xbb: {  	s0 =	sor.u32 s1, s0  }
0xbc: {  	s0 =	sadd.s32 $0x8F2B, s0  }
0xbd: {  	[sflag:s0] =	ssyncadd.remote.s32 $0x1  }
0xbe: {  	_ =	sfence.sel $0xFFFF  }
0xbf: {  	[dreg:$0x0] =	wrdreg $0xFFFFFFFF;
	(pc) =	sbr.abs _section_cstart, $3  }
0xc0: {  	[dreg:$0x1] =	wrdreg $0xFFFFFFFF  }
0xc1: {  	_ =	task.clear_ibuf [dreg:s6], $0x2FFFF;
	_ =	strace $0x9FFFFFFF  }
0xc2: {  	(tm) =	ssettm $0x7FFFFFFF  }
0xc3: {  	_ =	shalt  }
tec
execute0_lowered:
.L_overlay_start_1:
0x0: {  	(tag) =	ssettag $0x1  }
0x1: {  	s1 =	stileid.u32  }
0x2: {  	s4 =	rddreg [dreg:$0x0];
	s5 =	smul.u32 $0x27100, s1  }
0x3: {  	s2 =	rddreg [dreg:$0x1];
	s20 =	smul.u32 $0x2710, s1  }
0x4: {  	s6 =	srdreg.scid;
	s8 =	smul.u32 $0x50000, s1  }
0x5: {  	s3 =	simm.s32 $0x0;
	s12 =	sand.u32 $0x1, s6;
	s14 =	smul.u32 $0x280, s1  }
0x6: {  	[smem:$0x7FF] =	sst s3;
	s7 =	smul.u32 $0x1388, s12  }
0x7: {  	s0 =	rddreg [dreg:$0x2];
	_ =	strace $0x8000004A;
	s22 =	smul.u32 $0x28000, s12  }
0x8: {  	s23 =	ssub.s32 $0x2, s12;
	s19 =	smul.u32 $0x13880, s12;
	s13 =	sadd.s32 s5, s4  }
0x9: {  	s25 =	sshrl.u32 s23, $0x1;
	s28 =	sshrl.u32 s8, $0x2;
	s11 =	sadd.s32 $0x80, s14  }
0xa: {  	s16 =	sadd.s32 $0x100, s14;
	s17 =	sadd.s32 $0x180, s14;
	s14 =	sadd.s32 $0x200, s14  }
0xb: {  	s21 =	sadd.s32 s7, s20;
	s24 =	sadd.s32 s22, s4;
	s26 =	ssub.s32 s23, s25  }
0xc: {  	s10 =	sshll.u32 s11, $0x7;
	s20 =	smul.u32 $0x2800, s1;
	s29 =	sshll.u32 s16, $0x7  }
0xd: {  	s18 =	sshll.u32 s17, $0x7;
	s22 =	sshll.u32 s16, $0x4;
	s23 =	sshll.u32 s17, $0x4  }
0xe: {  	s30 =	sshll.u32 s14, $0x7;
	s31 =	sadd.s32 s19, s13;
	s25 =	sshll.u32 s14, $0x4  }
0xf: {  	s16 =	simm.s32 $0x15480;
	s17 =	simm.s32 $0x1;
	s19 =	simm.s32 $0x15400  }
0x10: {  	s5 =	sshrl.u32 s21, $0x3;
	s24 =	sadd.s32 $0x2800, s24;
	s10 =	sadd.s32 s10, s2  }
0x11: {  	s21 =	sshll.u32 s11, $0x4;
	s11 =	sadd.s32 s29, s2;
	s12 =	sadd.s32 s18, s2  }
0x12: {  	s13 =	sadd.s32 s30, s2;
	s14 =	sadd.s32 $0x75A800, s31;
	s18 =	simm.s32 $0x14000  }
0x13: {  	s15 =	sadd.s32 s5, s4;
	s4 =	sadd.s32 s28, s2;
	s5 =	smax.u32 s26, $0x1  }
0x14: {  	s20 =	sadd.s32 s20, s24;
	s21 =	sadd.s32 s21, s24;
	s22 =	sadd.s32 s22, s24  }
0x15: {  	s23 =	sadd.s32 s23, s24;
	s24 =	sadd.s32 s25, s24;
	s25 =	simm.s32 $0x28  }
0x16: {  	s26 =	simm.s32 $0x0;
	s6 =	sadd.s32 $0x4000, s4;
	s7 =	sadd.s32 $0x8000, s4  }
0x17: {  	v0 =	vimm.f32 $0.0e+00;
	s8 =	sadd.s32 $0xC000, s4;
	s9 =	sadd.s32 $0x10000, s4;
	s15 =	sadd.s32 $0x755800, s15  }
.LBB2_1:
0x18: {  	s28 =	sand.u32 $0xFE00, s3  }
0x19: {  	s29 =	sand.u32 $0x70, s3;
	s30 =	sshrl.u32 s28, $0x2  }
0x1a: {  	s28 =	simm.s32 $0x40;
	s30 =	sor.u32 s29, s30;
	s29 =	simm.s32 $0x0  }
.LBB2_2:
0x1b: {  	p0 =	sne.s32 s28, $0xFFC0  }
0x1c: {  	[tilespmem:s30+$0x15480] =	vst v0;
	s29 =	sadd.s32 $0x10, s29;
	s30 =	smov.u32 s28;
	s28 =	sadd.s32 $0x40, s28  }
.Ltmp0:
0x1d: {  	(pc) =	sbr.rel @p0 .LBB2_2-.Ltmp0, $4  }
0x1e: {  	_ = 	snop  }
0x1f: {  	s30 =	sand.u32 $0xFE00, s30  }
0x20: {  	s31 =	sand.u32 $0x70, s29;
	s30 =	sshrl.u32 s30, $0x2  }
0x21: {  	s30 =	sor.u32 s31, s30  }
0x22: {  	[tilespmem:s30+$0x15480] =	vst v0  }
0x23: {  	[spmem:s4] =	stream.linear.scatter [tilespmem:s16], [sflag:$0x1], $0x4000, $0x38;
	[tilespmem:$0x19480] =	vst v63  }
0x24: {  	_ =	swait.ge [sflag:s17], $0x4000  }
0x25: {  	[sflag:s17] =	ssyncset.done $0x0  }
0x26: {  	[sflag:s17] =	ssyncadd.s32 $0xFFFFC000  }
0x27: {  	[spmem:s6] =	stream.linear.scatter [tilespmem:s16], [sflag:$0x1], $0x4000, $0x38;
	[tilespmem:$0x19480] =	vst v63  }
0x28: {  	_ =	swait.ge [sflag:s17], $0x4000  }
0x29: {  	[sflag:s17] =	ssyncset.done $0x0  }
0x2a: {  	[sflag:s17] =	ssyncadd.s32 $0xFFFFC000  }
0x2b: {  	[spmem:s7] =	stream.linear.scatter [tilespmem:s16], [sflag:$0x1], $0x4000, $0x38;
	[tilespmem:$0x19480] =	vst v63  }
0x2c: {  	_ =	swait.ge [sflag:s17], $0x4000  }
0x2d: {  	[sflag:s17] =	ssyncset.done $0x0  }
0x2e: {  	[sflag:s17] =	ssyncadd.s32 $0xFFFFC000  }
0x2f: {  	[spmem:s8] =	stream.linear.scatter [tilespmem:s16], [sflag:$0x1], $0x4000, $0x38;
	[tilespmem:$0x19480] =	vst v63  }
0x30: {  	_ =	swait.ge [sflag:s17], $0x4000  }
0x31: {  	[sflag:s17] =	ssyncset.done $0x0  }
0x32: {  	[sflag:s17] =	ssyncadd.s32 $0xFFFFC000  }
0x33: {  	[spmem:s9] =	stream.linear.scatter [tilespmem:s16], [sflag:$0x1], $0x4000, $0x38;
	[tilespmem:$0x19480] =	vst v63  }
0x34: {  	_ =	swait.ge [sflag:s17], $0x4000  }
0x35: {  	[sflag:s17] =	ssyncset.done $0x0  }
0x36: {  	[sflag:s17] =	ssyncadd.s32 $0xFFFFC000  }
0x37: {  	[bflag:$0x0] =	sbarrier.arrive $0xFFFF  }
0x38: {  	[tilespmem:s18], [sflag:$0x1] =	stream.linear.gather [hbm4b:s14+s3], $0x1400, $0x38;
	[tilespmem:$0x19480] =	vst v63  }
0x39: {  	_ =	swait.ge [sflag:s17], $0x1400  }
0x3a: {  	[sflag:s17] =	ssyncset.done $0x0  }
0x3b: {  	s28 =	sadd.s32 $0x0, s15;
	[sflag:s17] =	ssyncadd.s32 $0xFFFFEC00  }
0x3c: {  	[tilespmem:s19], [sflag:$0x1] =	stream.linear.gather [hbm4b:s28+s3], $0x28, $0x38;
	[tilespmem:$0x19480] =	vst v63  }
0x3d: {  	_ =	swait.ge [sflag:s17], $0x28  }
0x3e: {  	[sflag:s17] =	ssyncset.done $0x0  }
0x3f: {  	[sflag:s17] =	ssyncadd.s32 $0xFFFFFFD8  }
0x40: {  	[spmem:s2] =	stream.indirect.scatter.add.f32 [tilespmem:s18], [sflag:$0x1], $0x80, s19, s25, $0xb8;
	[tilespmem:$0x19480] =	vst v63  }
0x41: {  	_ =	swait.ge [sflag:s17], $0x1400  }
0x42: {  	s29 =	smov.u32 s14;
	s28 =	simm.s32 $0x5;
	[sflag:s17] =	ssyncset.done $0x0  }
.LBB2_4:
0x43: {  	p0 =	sne.s32 s28, $0x26C;
	[sflag:s17] =	ssyncadd.s32 $0xFFFFEC00;
	s29 =	sadd.s32 $0x280, s29  }
0x44: {  	[tilespmem:s18], [sflag:$0x1] =	stream.linear.gather [hbm4b:s29+s3], $0x1400, $0x38;
	[tilespmem:$0x19480] =	vst v63  }
0x45: {  	s30 =	smov.u32 s28;
	s28 =	sadd.s32 $0x5, s28;
	_ =	swait.ge [sflag:s17], $0x1400  }
0x46: {  	[sflag:s17] =	ssyncset.done $0x0  }
0x47: {  	s30 =	sadd.s32 s30, s15;
	[sflag:s17] =	ssyncadd.s32 $0xFFFFEC00  }
0x48: {  	[tilespmem:s19], [sflag:$0x1] =	stream.linear.gather [hbm4b:s30+s3], $0x28, $0x38;
	[tilespmem:$0x19480] =	vst v63  }
0x49: {  	_ =	swait.ge [sflag:s17], $0x28  }
.Ltmp1:
0x4a: {  	[sflag:s17] =	ssyncset.done $0x0;
	(pc) =	sbr.rel @p0 .LBB2_4-.Ltmp1, $4  }
0x4b: {  	[sflag:s17] =	ssyncadd.s32 $0xFFFFFFD8  }
0x4c: {  	[spmem:s2] =	stream.indirect.scatter.add.f32 [tilespmem:s18], [sflag:$0x1], $0x80, s19, s25, $0xb8;
	[tilespmem:$0x19480] =	vst v63  }
0x4d: {  	_ =	swait.ge [sflag:s17], $0x1400  }
0x4e: {  	[sflag:s17] =	ssyncset.done $0x0  }
0x4f: {  	[sflag:s17] =	ssyncadd.s32 $0xFFFFEC00  }
0x50: {  	[bflag:$0x0] =	sbarrier.arrive $0xFFFF  }
0x51: {  	[tilespmem:s16], [sflag:$0x1] =	stream.linear.gather [spmem:s4], $0x4000, $0x38;
	[tilespmem:$0x19480] =	vst v63  }
0x52: {  	_ =	swait.ge [sflag:s17], $0x4000  }
0x53: {  	[sflag:s17] =	ssyncset.done $0x0  }
0x54: {  	[sflag:s17] =	ssyncadd.s32 $0xFFFFC000  }
0x55: {  	[hbm4b:s20+s3] =	stream.linear.scatter [tilespmem:s16], [sflag:$0x1], $0x4000, $0x38;
	[tilespmem:$0x19480] =	vst v63  }
0x56: {  	_ =	swait.ge [sflag:s17], $0x4000  }
0x57: {  	[sflag:s17] =	ssyncset.done $0x0  }
0x58: {  	[sflag:s17] =	ssyncadd.s32 $0xFFFFC000  }
0x59: {  	[tilespmem:s16], [sflag:$0x1] =	stream.linear.gather [spmem:s10], $0x4000, $0x38;
	[tilespmem:$0x19480] =	vst v63  }
0x5a: {  	_ =	swait.ge [sflag:s17], $0x4000  }
0x5b: {  	[sflag:s17] =	ssyncset.done $0x0  }
0x5c: {  	[sflag:s17] =	ssyncadd.s32 $0xFFFFC000  }
0x5d: {  	[hbm4b:s21+s3] =	stream.linear.scatter [tilespmem:s16], [sflag:$0x1], $0x4000, $0x38;
	[tilespmem:$0x19480] =	vst v63  }
0x5e: {  	_ =	swait.ge [sflag:s17], $0x4000  }
0x5f: {  	[sflag:s17] =	ssyncset.done $0x0  }
0x60: {  	[sflag:s17] =	ssyncadd.s32 $0xFFFFC000  }
0x61: {  	[tilespmem:s16], [sflag:$0x1] =	stream.linear.gather [spmem:s11], $0x4000, $0x38;
	[tilespmem:$0x19480] =	vst v63  }
0x62: {  	_ =	swait.ge [sflag:s17], $0x4000  }
0x63: {  	[sflag:s17] =	ssyncset.done $0x0  }
0x64: {  	[sflag:s17] =	ssyncadd.s32 $0xFFFFC000  }
0x65: {  	[hbm4b:s22+s3] =	stream.linear.scatter [tilespmem:s16], [sflag:$0x1], $0x4000, $0x38;
	[tilespmem:$0x19480] =	vst v63  }
0x66: {  	_ =	swait.ge [sflag:s17], $0x4000  }
0x67: {  	[sflag:s17] =	ssyncset.done $0x0  }
0x68: {  	[sflag:s17] =	ssyncadd.s32 $0xFFFFC000  }
0x69: {  	[tilespmem:s16], [sflag:$0x1] =	stream.linear.gather [spmem:s12], $0x4000, $0x38;
	[tilespmem:$0x19480] =	vst v63  }
0x6a: {  	_ =	swait.ge [sflag:s17], $0x4000  }
0x6b: {  	[sflag:s17] =	ssyncset.done $0x0  }
0x6c: {  	[sflag:s17] =	ssyncadd.s32 $0xFFFFC000  }
0x6d: {  	[hbm4b:s23+s3] =	stream.linear.scatter [tilespmem:s16], [sflag:$0x1], $0x4000, $0x38;
	[tilespmem:$0x19480] =	vst v63  }
0x6e: {  	_ =	swait.ge [sflag:s17], $0x4000  }
0x6f: {  	[sflag:s17] =	ssyncset.done $0x0  }
0x70: {  	[sflag:s17] =	ssyncadd.s32 $0xFFFFC000  }
0x71: {  	[tilespmem:s16], [sflag:$0x1] =	stream.linear.gather [spmem:s13], $0x4000, $0x38;
	[tilespmem:$0x19480] =	vst v63  }
0x72: {  	s26 =	sadd.s32 $0x1, s26;
	_ =	swait.ge [sflag:s17], $0x4000  }
0x73: {  	p0 =	sne.s32 s26, s5;
	[sflag:s17] =	ssyncset.done $0x0  }
.Ltmp2:
0x74: {  	[sflag:s17] =	ssyncadd.s32 $0xFFFFC000;
	(pc) =	sbr.rel @p0 .LBB2_1-.Ltmp2, $4  }
0x75: {  	[hbm4b:s24+s3] =	stream.linear.scatter [tilespmem:s16], [sflag:$0x1], $0x4000, $0x38;
	[tilespmem:$0x19480] =	vst v63  }
0x76: {  	_ =	swait.ge [sflag:s17], $0x4000  }
0x77: {  	[sflag:s17] =	ssyncset.done $0x0  }
0x78: {  	[sflag:s17] =	ssyncadd.s32 $0xFFFFC000  }
0x79: {  	_ =	sfence.sel $0x180000  }
0x7a: {  	[bflag:$0x0] =	sbarrier.arrive $0xFFFF  }
0x7b: {  	p0 =	sne.s32 s1, $0x0;
	_ =	strace $0x9000004A  }
0x7c: {  	s0 =	sadd.s32 @!p0 $0x100000, s0;
	[bflag:$0x2] =	sbarrier.arrive $0xFFFF  }
0x7d: {  	[sflag:s0] =	ssyncadd.tile.s32 @!p0 $0x1;
	_ =	shalt  }
.Lfunc_end2:
_tile_overlayer_lowered:
.L_overlay_start_2:
0x7e: {  	(tag) =	ssettag $0x2  }
0x7f: {  	s0 =	rddreg [dreg:$0x0];
	s2 =	stileid.u32  }
0x80: {  	s1 =	rddreg [dreg:$0x1];
	p0 =	sne.s32 s2, $0x0  }
0x81: {  	s3 =	rddreg [dreg:$0x2];
	[bflag:$0x3] =	sbarrier.arrive $0xFFFF;
	s2 =	simm.s32 @!p0 $0x1C01  }
0x82: {  	[timem:s3], [sflag:s2] =	dma.local @!p0 [hbm:s0], s1  }
0x83: {  	s0 =	simm.s32 @!p0 $0x1  }
0x84: {  	_ =	swait.ge @!p0 [sflag:s0], s1  }
0x85: {  	s1 =	ssub.s32 @!p0 $0x0, s1;
	[sflag:s0] =	ssyncset.done @!p0 $0x0  }
0x86: {  	[sflag:s0] =	ssyncadd.s32 @!p0 s1  }
0x87: {  	[bflag:$0x3] =	sbarrier.arrive $0xFFFF  }
0x88: {  	_ =	shalt  }

// kernel: kernel.13.cloned.1.call-start
scs
__scs_entry_jumppad:
0x0: {  	(pc) =	sbr.rel $0x88, $3  }
0x1: {  	(tag) =	ssettag $0x0;
	lr =	simm.s32 $0x1  }
0x2: {  	[smem:$0x3F93] =	sst lr;
	_ =	strace $0xD0000000  }
0x3: {  	_ = 	snop  }
0x4: {  	_ = 	snop  }
0x5: {  	_ = 	snop  }
0x6: {  	_ = 	snop  }
0x7: {  	_ = 	snop  }
__scs_overlays_trampoline_lowered:
0x8: {  	[smem:$0x3FA2] =	sst s0  }
0x9: {  	[smem:$0x3FA3] =	sst s1  }
0xa: {  	[smem:$0x3FA4] =	sst s2  }
0xb: {  	[smem:$0x3FA5] =	sst s3  }
0xc: {  	[smem:$0x3FA6] =	sst s4  }
0xd: {  	[smem:$0x3FA7] =	sst s5  }
0xe: {  	[smem:$0x3FA8] =	sst s6  }
0xf: {  	[smem:$0x3FA9] =	sst s7  }
0x10: {  	[smem:$0x3FAA] =	sst s8  }
0x11: {  	[smem:$0x3FAB] =	sst s9;
	s0 =	simm.s32 @!p0 $0x0  }
0x12: {  	s1 =	sld [smem:$0x3F91];
	s0 =	simm.s32 @p0 $0x1  }
0x13: {  	[smem:$0x3FAC] =	sst s0;
	s0 =	simm.s32 @!p1 $0x0  }
0x14: {  	s2 =	sld [smem:$0x3F90];
	s0 =	simm.s32 @p1 $0x1  }
0x15: {  	[smem:$0x3FAD] =	sst s0;
	s0 =	simm.s32 @!p2 $0x0  }
0x16: {  	s3 =	sld [smem:$0x3FDB];
	s0 =	simm.s32 @p2 $0x1  }
0x17: {  	s4 =	simm.s32 $0x1BF5;
	[smem:$0x3FAF] =	sst s0  }
0x18: {  	s0 =	sld [smem:$0x3F92];
	_ =	swait.ge [sflag:s4], $0x0  }
0x19: {  	s7 =	sld [smem:$0x3F93]  }
0x1a: {  	s8 =	sadd.s32 $0xFFFFE003, lr  }
0x1b: {  	s9 =	sadd.s32 $0xFFFFFEF7, lr;
	s5 =	simm.s32 $0xFFFFFFFF;
	p2 =	slt.u32 s8, $0xFFFFF086  }
0x1c: {  	p1 =	slt.u32 s9, $0xF7A;
	s5 =	simm.s32 @!p2 $0x0  }
0x1d: {  	s5 =	simm.s32 @p1 $0x1;
	p0 =	seq.s32 s7, s2  }
0x1e: {  	s7 =	smul.u32 @!p0 $0xF7A, s2;
	p2 =	seq.s32 @!p0 s5, $0x0  }
0x1f: {  	s9 =	smul.u32 $0xF7A, s1;
	s8 =	simm.s32 @!p0 $0x1BF5;
	p2 =	por !p2, p0  }
0x20: {  	[sflag:s8] =	ssyncset.s32 @!p0 $0xFFFFF086;
	s6 =	sadd.s32 @!p0 s3, s7;
	s7 =	simm.s32 @!p0 $0x108  }
0x21: {  	s3 =	sadd.s32 s3, s9;
	s6 =	sadd.s32 @!p0 $0x88, s6;
	s7 =	simm.s32 @p2 $0x1082  }
0x22: {  	[simem:s7], [sflag:s8] =	dma.local @!p0 [hbm:s6], $0xF7A  }
0x23: {  	s9 =	sor.u32 $0xD0000000, s2;
	s6 =	simm.s32 $0x108;
	_ =	swait.ge @!p0 [sflag:s8], $0x0  }
0x24: {  	s3 =	sadd.s32 $0x88, s3;
	s6 =	simm.s32 @!p1 $0x1082;
	[sflag:s4] =	ssyncset.s32 $0xFFFFF086  }
0x25: {  	[simem:s6], [sflag:s4] =	dma.local [hbm:s3], $0xF7A  }
0x26: {  	[smem:$0x3F93] =	sst s1;
	(tag) =	ssettag s2;
	_ =	strace s9  }
0x27: {  	s1 =	sld [smem:$0x3FA3]  }
0x28: {  	s2 =	sld [smem:$0x3FA4]  }
0x29: {  	s4 =	sld [smem:$0x3FA6]  }
0x2a: {  	p0 =	seq.s32 s5, $0x0;
	s5 =	sld [smem:$0x3FA7]  }
0x2b: {  	s6 =	sld [smem:$0x3FA8]  }
0x2c: {  	s7 =	sld [smem:$0x3FA9]  }
0x2d: {  	s3 =	simm.s32 $0x108;
	s8 =	sld [smem:$0x3FAA]  }
0x2e: {  	s3 =	simm.s32 @!p0 $0x1082;
	s9 =	sld [smem:$0x3FAB]  }
0x2f: {  	lr =	sadd.s32 s0, s3;
	s0 =	sld [smem:$0x3FA2]  }
0x30: {  	s3 =	sld [smem:$0x3FA5]  }
0x31: {  	[smem:$0x3FAE] =	sst s10  }
0x32: {  	s10 =	sld [smem:$0x3FAC];
	_ =	sdelay $0x3  }
0x33: {  	p0 =	seq.s32 s10, $0x1;
	s10 =	sld [smem:$0x3FAE];
	_ =	sdelay $0x3  }
0x34: {  	[smem:$0x3FAE] =	sst s10  }
0x35: {  	s10 =	sld [smem:$0x3FAD];
	_ =	sdelay $0x3  }
0x36: {  	p1 =	seq.s32 s10, $0x1;
	s10 =	sld [smem:$0x3FAE];
	_ =	sdelay $0x3  }
0x37: {  	[smem:$0x3FAE] =	sst s10  }
0x38: {  	s10 =	sld [smem:$0x3FAF]  }
0x39: {  	_ = 	snop;
	(pc) =	sbr.ind lr, $3  }
0x3a: {  	_ = 	snop  }
0x3b: {  	_ = 	snop  }
0x3c: {  	p2 =	seq.s32 s10, $0x1;
	s10 =	sld [smem:$0x3FAE]  }
0x3d: {  	_ =	shalt  }
0x3e: {  	_ =	shalt  }
0x3f: {  	_ =	shalt  }
0x40: {  	_ =	shalt  }
0x41: {  	_ =	shalt  }
0x42: {  	_ =	shalt  }
0x43: {  	_ =	shalt  }
0x44: {  	_ =	shalt  }
0x45: {  	_ =	shalt  }
0x46: {  	_ =	shalt  }
0x47: {  	_ =	shalt  }
0x48: {  	_ =	shalt  }
0x49: {  	_ =	shalt  }
0x4a: {  	_ =	shalt  }
0x4b: {  	_ =	shalt  }
0x4c: {  	_ =	shalt  }
0x4d: {  	_ =	shalt  }
0x4e: {  	_ =	shalt  }
0x4f: {  	_ =	shalt  }
0x50: {  	_ =	shalt  }
0x51: {  	_ =	shalt  }
0x52: {  	_ =	shalt  }
0x53: {  	_ =	shalt  }
0x54: {  	_ =	shalt  }
0x55: {  	_ =	shalt  }
0x56: {  	_ =	shalt  }
0x57: {  	_ =	shalt  }
0x58: {  	_ =	shalt  }
0x59: {  	_ =	shalt  }
0x5a: {  	_ =	shalt  }
0x5b: {  	_ =	shalt  }
0x5c: {  	_ =	shalt  }
0x5d: {  	_ =	shalt  }
0x5e: {  	_ =	shalt  }
0x5f: {  	_ =	shalt  }
0x60: {  	_ =	shalt  }
0x61: {  	_ =	shalt  }
0x62: {  	_ =	shalt  }
0x63: {  	_ =	shalt  }
0x64: {  	_ =	shalt  }
0x65: {  	_ =	shalt  }
0x66: {  	_ =	shalt  }
0x67: {  	_ =	shalt  }
0x68: {  	_ =	shalt  }
0x69: {  	_ =	shalt  }
0x6a: {  	_ =	shalt  }
0x6b: {  	_ =	shalt  }
0x6c: {  	_ =	shalt  }
0x6d: {  	_ =	shalt  }
0x6e: {  	_ =	shalt  }
0x6f: {  	_ =	shalt  }
0x70: {  	_ =	shalt  }
0x71: {  	_ =	shalt  }
0x72: {  	_ =	shalt  }
0x73: {  	_ =	shalt  }
0x74: {  	_ =	shalt  }
0x75: {  	_ =	shalt  }
0x76: {  	_ =	shalt  }
0x77: {  	_ =	shalt  }
0x78: {  	_ =	shalt  }
0x79: {  	_ =	shalt  }
0x7a: {  	_ =	shalt  }
0x7b: {  	_ =	shalt  }
0x7c: {  	_ =	shalt  }
0x7d: {  	_ =	shalt  }
0x7e: {  	_ =	shalt  }
0x7f: {  	_ =	shalt  }
0x80: {  	_ =	shalt  }
0x81: {  	_ =	shalt  }
0x82: {  	_ =	shalt  }
0x83: {  	_ =	shalt  }
0x84: {  	_ =	shalt  }
0x85: {  	_ =	shalt  }
0x86: {  	_ =	shalt  }
0x87: {  	_ =	shalt  }
.Lfunc_end0:
.L_simem_size_0:
called_computation.2_lowered:
.L_overlay_start_0:
0x88: {  	s2 =	sld [smem:$0x3FD9]  }
0x89: {  	s3 =	sld [smem:$0x3FFE];
	_ =	sdelay $0x1  }
0x8a: {  	s1 =	srdreg.scid  }
0x8b: {  	s0 =	sand.u32 $0x1, s1  }
0x8c: {  	s17 =	sshll.u32 s0, $0xA;
	s2 =	sadd.s32 s3, s2  }
0x8d: {  	s2 =	sadd.s32 s2, s17  }
0x8e: {  	[smem:$0x3FBA] =	sst s2  }
0x8f: {  	_ = 	snop  }
0x90: {  	(tm) =	ssettm $0x1  }
0x91: {  	s18 =	sld [smem:$0x3FFB];
	_ =	sdelay $0x3  }
0x92: {  	_ =	strace s18  }
0x93: {  	s2 =	sld [smem:$0x3FFC];
	_ =	sdelay $0x3  }
0x94: {  	_ =	strace s2  }
0x95: {  	s2 =	sld [smem:$0x3FFD];
	_ =	sdelay $0x3  }
0x96: {  	_ =	strace s2  }
0x97: {  	_ =	strace $0x8FFFFFFF  }
0x98: {  	s19 =	sld [smem:$0x3FDB];
	_ =	sdelay $0x1  }
0x99: {  	s20 =	simm.s32 $_scs_section_size  }
0x9a: {  	s4 =	simm.s32 $_size__tile_overlayer_lowered;
	s5 =	simm.s32 $_tile_overlayer_lowered  }
0x9b: {  	s6 =	simm.s32 $0x1BFF;
	s21 =	sshll.u32 s5, $0x1;
	s3 =	sadd.s32 s20, s19  }
0x9c: {  	s22 =	simm.s32 $0x0;
	s4 =	sshll.u32 s4, $0x1;
	s5 =	sadd.s32 s21, s3  }
0x9d: {  	[timem:s22], [sflag:s6] =	dma.local [hbm:s5], s4  }
0x9e: {  	_ =	swait.ge [sflag:s6], s4  }
0x9f: {  	s4 =	ssub.s32 $0x0, s4;
	[sflag:s6] =	ssyncset.done $0x0  }
0xa0: {  	[sflag:s6] =	ssyncadd.s32 s4;
	_ =	sdelay $0x1  }
0xa1: {  	s23 =	simm.s32 $0x1B8B  }
0xa2: {  	_ =	swait.ge [sflag:s23], $0x1  }
0xa3: {  	[sflag:s23] =	ssyncset.done $0x0  }
0xa4: {  	[sflag:s23] =	ssyncadd.s32 $0xFFFFFFFF  }
0xa5: {  	s4 =	sld [smem:$0x0]  }
0xa6: {  	s5 =	sand.u32 $0xFFFFFFFE, s1  }
0xa7: {  	p0 =	sne.s32 s1, s5  }
0xa8: {  	s5 =	sshll.u32 @p0 s5, $0xE  }
0xa9: {  	s5 =	sadd.s32 @p0 $0x11B8D, s5;
	s6 =	sshll.u32 @p0 s4, $0x11  }
0xaa: {  	s5 =	sor.u32 @p0 s6, s5  }
0xab: {  	[sflag:s5] =	ssyncadd.remote.s32 @p0 $0x1;
	_ =	sdelay $0x1  }
0xac: {  	s5 =	simm.s32 @p0 $0x1B8D  }
0xad: {  	_ =	swait.eq @p0 [sflag:s5], $0x1  }
0xae: {  	[sflag:s5] =	ssyncadd.s32 @p0 $0xFFFFFFFF  }
0xaf: {  	s6 =	sshll.u32 @!p0 s1, $0xE  }
0xb0: {  	s6 =	sor.u32 @!p0 $0x4000, s6;
	s5 =	simm.s32 @!p0 $0x1B8D  }
0xb1: {  	s4 =	sshll.u32 @!p0 s4, $0x11;
	s6 =	sadd.s32 @!p0 $0x11B8D, s6;
	_ =	swait.eq @!p0 [sflag:s5], $0x1  }
0xb2: {  	s4 =	sor.u32 @!p0 s4, s6;
	[sflag:s5] =	ssyncadd.s32 @!p0 $0xFFFFFFFF  }
0xb3: {  	s25 =	simm.s32 $0x1B8E;
	s24 =	sld [smem:$0x3FFE];
	[sflag:s4] =	ssyncadd.remote.s32 @!p0 $0x1  }
0xb4: {  	s26 =	simm.s32 $execute0_lowered;
	[smem:$0x3FD2] =	sst s25  }
0xb5: {  	s5 =	sshll.u32 s26, $0x1;
	_ =	strace $0x8000004C;
	[dreg:$0x1] =	wrdreg $0xFFFFFFFF  }
0xb6: {  	s28 =	simm.s32 $_size_execute0_lowered;
	s3 =	sadd.s32 s3, s5;
	[dreg:$0x0] =	wrdreg $0x0  }
0xb7: {  	s5 =	sshll.u32 s28, $0x1;
	[dreg:$0x2] =	wrdreg s3  }
0xb8: {  	[dreg:$0x3] =	wrdreg s5  }
0xb9: {  	[dreg:$0x4] =	wrdreg $0xC0  }
0xba: {  	_ =	task [dreg:s22], $0x5FFFF  }
0xbb: {  	[dreg:$0x1] =	wrdreg $0xFFFFFFFF  }
0xbc: {  	[dreg:$0x0] =	wrdreg $0x60  }
0xbd: {  	[dreg:$0x2] =	wrdreg s24  }
0xbe: {  	[dreg:$0x3] =	wrdreg $0x0  }
0xbf: {  	[dreg:$0x4] =	wrdreg $0xA  }
0xc0: {  	_ =	task.clear_ibuf [dreg:s22], $0x5FFFF;
	_ =	strace $0x9000004C  }
0xc1: {  	s29 =	simm.s32 $0xA;
	_ =	strace $0x8000004E  }
0xc2: {  	_ =	swait.ge [sflag:s29], $0x1  }
0xc3: {  	[sflag:s29] =	ssyncadd.s32 $0xFFFFFFFF  }
0xc4: {  	_ =	strace $0x9000004E  }
0xc5: {  	_ =	sfence  }
0xc6: {  	s30 =	sld [smem:$0x0];
	_ =	sdelay $0x2  }
0xc7: {  	s31 =	sshll.u32 s1, $0xD;
	s1 =	sshrl.u32 s1, $0x2  }
0xc8: {  	s4 =	sand.u32 $0x4000, s31;
	s1 =	sadd.s32 s1, s30  }
0xc9: {  	s0 =	sor.u32 s4, s0;
	s1 =	sshll.u32 s1, $0x11  }
0xca: {  	s0 =	sor.u32 s1, s0  }
0xcb: {  	s0 =	sadd.s32 $0x8F2B, s0  }
0xcc: {  	[sflag:s0] =	ssyncadd.remote.s32 $0x1  }
0xcd: {  	_ =	sfence.sel $0xFFFF  }
0xce: {  	[dreg:$0x0] =	wrdreg $0xFFFFFFFF;
	(pc) =	sbr.abs _section_cstart, $3  }
0xcf: {  	[dreg:$0x1] =	wrdreg $0xFFFFFFFF  }
0xd0: {  	_ =	task.clear_ibuf [dreg:s22], $0x2FFFF;
	_ =	strace $0x9FFFFFFF  }
0xd1: {  	(tm) =	ssettm $0x7FFFFFFF  }
tec
execute0_lowered:
.L_overlay_start_1:
0x0: {  	(tag) =	ssettag $0x1  }
0x1: {  	s1 =	stileid.u32  }
0x2: {  	s4 =	rddreg [dreg:$0x0];
	s5 =	smul.u32 $0x27100, s1  }
0x3: {  	s2 =	rddreg [dreg:$0x1];
	s20 =	smul.u32 $0x2710, s1  }
0x4: {  	s6 =	srdreg.scid;
	s8 =	smul.u32 $0x50000, s1  }
0x5: {  	s3 =	simm.s32 $0x0;
	s12 =	sand.u32 $0x1, s6;
	s14 =	smul.u32 $0x280, s1  }
0x6: {  	[smem:$0x7FF] =	sst s3;
	s7 =	smul.u32 $0x1388, s12  }
0x7: {  	s0 =	rddreg [dreg:$0x2];
	_ =	strace $0x8000004D;
	s22 =	smul.u32 $0x28000, s12  }
0x8: {  	s23 =	ssub.s32 $0x2, s12;
	s19 =	smul.u32 $0x13880, s12;
	s13 =	sadd.s32 s5, s4  }
0x9: {  	s25 =	sshrl.u32 s23, $0x1;
	s28 =	sshrl.u32 s8, $0x2;
	s11 =	sadd.s32 $0x80, s14  }
0xa: {  	s16 =	sadd.s32 $0x100, s14;
	s17 =	sadd.s32 $0x180, s14;
	s14 =	sadd.s32 $0x200, s14  }
0xb: {  	s21 =	sadd.s32 s7, s20;
	s24 =	sadd.s32 s22, s4;
	s26 =	ssub.s32 s23, s25  }
0xc: {  	s10 =	sshll.u32 s11, $0x7;
	s20 =	smul.u32 $0x2800, s1;
	s29 =	sshll.u32 s16, $0x7  }
0xd: {  	s18 =	sshll.u32 s17, $0x7;
	s22 =	sshll.u32 s16, $0x4;
	s23 =	sshll.u32 s17, $0x4  }
0xe: {  	s30 =	sshll.u32 s14, $0x7;
	s31 =	sadd.s32 s19, s13;
	s25 =	sshll.u32 s14, $0x4  }
0xf: {  	s16 =	simm.s32 $0x15480;
	s17 =	simm.s32 $0x1;
	s19 =	simm.s32 $0x15400  }
0x10: {  	s5 =	sshrl.u32 s21, $0x3;
	s24 =	sadd.s32 $0x52800, s24;
	s10 =	sadd.s32 s10, s2  }
0x11: {  	s21 =	sshll.u32 s11, $0x4;
	s11 =	sadd.s32 s29, s2;
	s12 =	sadd.s32 s18, s2  }
0x12: {  	s13 =	sadd.s32 s30, s2;
	s14 =	sadd.s32 $0x9CB800, s31;
	s18 =	simm.s32 $0x14000  }
0x13: {  	s15 =	sadd.s32 s5, s4;
	s4 =	sadd.s32 s28, s2;
	s5 =	smax.u32 s26, $0x1  }
0x14: {  	s20 =	sadd.s32 s20, s24;
	s21 =	sadd.s32 s21, s24;
	s22 =	sadd.s32 s22, s24  }
0x15: {  	s23 =	sadd.s32 s23, s24;
	s24 =	sadd.s32 s25, s24;
	s25 =	simm.s32 $0x28  }
0x16: {  	s26 =	simm.s32 $0x0;
	s6 =	sadd.s32 $0x4000, s4;
	s7 =	sadd.s32 $0x8000, s4  }
0x17: {  	v0 =	vimm.f32 $0.0e+00;
	s8 =	sadd.s32 $0xC000, s4;
	s9 =	sadd.s32 $0x10000, s4;
	s15 =	sadd.s32 $0x755800, s15  }
.LBB2_1:
0x18: {  	s28 =	sand.u32 $0xFE00, s3  }
0x19: {  	s29 =	sand.u32 $0x70, s3;
	s30 =	sshrl.u32 s28, $0x2  }
0x1a: {  	s28 =	simm.s32 $0x40;
	s30 =	sor.u32 s29, s30;
	s29 =	simm.s32 $0x0  }
.LBB2_2:
0x1b: {  	p0 =	sne.s32 s28, $0xFFC0  }
0x1c: {  	[tilespmem:s30+$0x15480] =	vst v0;
	s29 =	sadd.s32 $0x10, s29;
	s30 =	smov.u32 s28;
	s28 =	sadd.s32 $0x40, s28  }
.Ltmp0:
0x1d: {  	(pc) =	sbr.rel @p0 .LBB2_2-.Ltmp0, $4  }
0x1e: {  	_ = 	snop  }
0x1f: {  	s30 =	sand.u32 $0xFE00, s30  }
0x20: {  	s31 =	sand.u32 $0x70, s29;
	s30 =	sshrl.u32 s30, $0x2  }
0x21: {  	s30 =	sor.u32 s31, s30  }
0x22: {  	[tilespmem:s30+$0x15480] =	vst v0  }
0x23: {  	[spmem:s4] =	stream.linear.scatter [tilespmem:s16], [sflag:$0x1], $0x4000, $0x38;
	[tilespmem:$0x19480] =	vst v63  }
0x24: {  	_ =	swait.ge [sflag:s17], $0x4000  }
0x25: {  	[sflag:s17] =	ssyncset.done $0x0  }
0x26: {  	[sflag:s17] =	ssyncadd.s32 $0xFFFFC000  }
0x27: {  	[spmem:s6] =	stream.linear.scatter [tilespmem:s16], [sflag:$0x1], $0x4000, $0x38;
	[tilespmem:$0x19480] =	vst v63  }
0x28: {  	_ =	swait.ge [sflag:s17], $0x4000  }
0x29: {  	[sflag:s17] =	ssyncset.done $0x0  }
0x2a: {  	[sflag:s17] =	ssyncadd.s32 $0xFFFFC000  }
0x2b: {  	[spmem:s7] =	stream.linear.scatter [tilespmem:s16], [sflag:$0x1], $0x4000, $0x38;
	[tilespmem:$0x19480] =	vst v63  }
0x2c: {  	_ =	swait.ge [sflag:s17], $0x4000  }
0x2d: {  	[sflag:s17] =	ssyncset.done $0x0  }
0x2e: {  	[sflag:s17] =	ssyncadd.s32 $0xFFFFC000  }
0x2f: {  	[spmem:s8] =	stream.linear.scatter [tilespmem:s16], [sflag:$0x1], $0x4000, $0x38;
	[tilespmem:$0x19480] =	vst v63  }
0x30: {  	_ =	swait.ge [sflag:s17], $0x4000  }
0x31: {  	[sflag:s17] =	ssyncset.done $0x0  }
0x32: {  	[sflag:s17] =	ssyncadd.s32 $0xFFFFC000  }
0x33: {  	[spmem:s9] =	stream.linear.scatter [tilespmem:s16], [sflag:$0x1], $0x4000, $0x38;
	[tilespmem:$0x19480] =	vst v63  }
0x34: {  	_ =	swait.ge [sflag:s17], $0x4000  }
0x35: {  	[sflag:s17] =	ssyncset.done $0x0  }
0x36: {  	[sflag:s17] =	ssyncadd.s32 $0xFFFFC000  }
0x37: {  	[bflag:$0x0] =	sbarrier.arrive $0xFFFF  }
0x38: {  	[tilespmem:s18], [sflag:$0x1] =	stream.linear.gather [hbm4b:s14+s3], $0x1400, $0x38;
	[tilespmem:$0x19480] =	vst v63  }
0x39: {  	_ =	swait.ge [sflag:s17], $0x1400  }
0x3a: {  	[sflag:s17] =	ssyncset.done $0x0  }
0x3b: {  	s28 =	sadd.s32 $0x0, s15;
	[sflag:s17] =	ssyncadd.s32 $0xFFFFEC00  }
0x3c: {  	[tilespmem:s19], [sflag:$0x1] =	stream.linear.gather [hbm4b:s28+s3], $0x28, $0x38;
	[tilespmem:$0x19480] =	vst v63  }
0x3d: {  	_ =	swait.ge [sflag:s17], $0x28  }
0x3e: {  	[sflag:s17] =	ssyncset.done $0x0  }
0x3f: {  	[sflag:s17] =	ssyncadd.s32 $0xFFFFFFD8  }
0x40: {  	[spmem:s2] =	stream.indirect.scatter.add.f32 [tilespmem:s18], [sflag:$0x1], $0x80, s19, s25, $0xb8;
	[tilespmem:$0x19480] =	vst v63  }
0x41: {  	_ =	swait.ge [sflag:s17], $0x1400  }
0x42: {  	s29 =	smov.u32 s14;
	s28 =	simm.s32 $0x5;
	[sflag:s17] =	ssyncset.done $0x0  }
.LBB2_4:
0x43: {  	p0 =	sne.s32 s28, $0x26C;
	[sflag:s17] =	ssyncadd.s32 $0xFFFFEC00;
	s29 =	sadd.s32 $0x280, s29  }
0x44: {  	[tilespmem:s18], [sflag:$0x1] =	stream.linear.gather [hbm4b:s29+s3], $0x1400, $0x38;
	[tilespmem:$0x19480] =	vst v63  }
0x45: {  	s30 =	smov.u32 s28;
	s28 =	sadd.s32 $0x5, s28;
	_ =	swait.ge [sflag:s17], $0x1400  }
0x46: {  	[sflag:s17] =	ssyncset.done $0x0  }
0x47: {  	s30 =	sadd.s32 s30, s15;
	[sflag:s17] =	ssyncadd.s32 $0xFFFFEC00  }
0x48: {  	[tilespmem:s19], [sflag:$0x1] =	stream.linear.gather [hbm4b:s30+s3], $0x28, $0x38;
	[tilespmem:$0x19480] =	vst v63  }
0x49: {  	_ =	swait.ge [sflag:s17], $0x28  }
.Ltmp1:
0x4a: {  	[sflag:s17] =	ssyncset.done $0x0;
	(pc) =	sbr.rel @p0 .LBB2_4-.Ltmp1, $4  }
0x4b: {  	[sflag:s17] =	ssyncadd.s32 $0xFFFFFFD8  }
0x4c: {  	[spmem:s2] =	stream.indirect.scatter.add.f32 [tilespmem:s18], [sflag:$0x1], $0x80, s19, s25, $0xb8;
	[tilespmem:$0x19480] =	vst v63  }
0x4d: {  	_ =	swait.ge [sflag:s17], $0x1400  }
0x4e: {  	[sflag:s17] =	ssyncset.done $0x0  }
0x4f: {  	[sflag:s17] =	ssyncadd.s32 $0xFFFFEC00  }
0x50: {  	[bflag:$0x0] =	sbarrier.arrive $0xFFFF  }
0x51: {  	[tilespmem:s16], [sflag:$0x1] =	stream.linear.gather [spmem:s4], $0x4000, $0x38;
	[tilespmem:$0x19480] =	vst v63  }
0x52: {  	_ =	swait.ge [sflag:s17], $0x4000  }
0x53: {  	[sflag:s17] =	ssyncset.done $0x0  }
0x54: {  	[sflag:s17] =	ssyncadd.s32 $0xFFFFC000  }
0x55: {  	[hbm4b:s20+s3] =	stream.linear.scatter [tilespmem:s16], [sflag:$0x1], $0x4000, $0x38;
	[tilespmem:$0x19480] =	vst v63  }
0x56: {  	_ =	swait.ge [sflag:s17], $0x4000  }
0x57: {  	[sflag:s17] =	ssyncset.done $0x0  }
0x58: {  	[sflag:s17] =	ssyncadd.s32 $0xFFFFC000  }
0x59: {  	[tilespmem:s16], [sflag:$0x1] =	stream.linear.gather [spmem:s10], $0x4000, $0x38;
	[tilespmem:$0x19480] =	vst v63  }
0x5a: {  	_ =	swait.ge [sflag:s17], $0x4000  }
0x5b: {  	[sflag:s17] =	ssyncset.done $0x0  }
0x5c: {  	[sflag:s17] =	ssyncadd.s32 $0xFFFFC000  }
0x5d: {  	[hbm4b:s21+s3] =	stream.linear.scatter [tilespmem:s16], [sflag:$0x1], $0x4000, $0x38;
	[tilespmem:$0x19480] =	vst v63  }
0x5e: {  	_ =	swait.ge [sflag:s17], $0x4000  }
0x5f: {  	[sflag:s17] =	ssyncset.done $0x0  }
0x60: {  	[sflag:s17] =	ssyncadd.s32 $0xFFFFC000  }
0x61: {  	[tilespmem:s16], [sflag:$0x1] =	stream.linear.gather [spmem:s11], $0x4000, $0x38;
	[tilespmem:$0x19480] =	vst v63  }
0x62: {  	_ =	swait.ge [sflag:s17], $0x4000  }
0x63: {  	[sflag:s17] =	ssyncset.done $0x0  }
0x64: {  	[sflag:s17] =	ssyncadd.s32 $0xFFFFC000  }
0x65: {  	[hbm4b:s22+s3] =	stream.linear.scatter [tilespmem:s16], [sflag:$0x1], $0x4000, $0x38;
	[tilespmem:$0x19480] =	vst v63  }
0x66: {  	_ =	swait.ge [sflag:s17], $0x4000  }
0x67: {  	[sflag:s17] =	ssyncset.done $0x0  }
0x68: {  	[sflag:s17] =	ssyncadd.s32 $0xFFFFC000  }
0x69: {  	[tilespmem:s16], [sflag:$0x1] =	stream.linear.gather [spmem:s12], $0x4000, $0x38;
	[tilespmem:$0x19480] =	vst v63  }
0x6a: {  	_ =	swait.ge [sflag:s17], $0x4000  }
0x6b: {  	[sflag:s17] =	ssyncset.done $0x0  }
0x6c: {  	[sflag:s17] =	ssyncadd.s32 $0xFFFFC000  }
0x6d: {  	[hbm4b:s23+s3] =	stream.linear.scatter [tilespmem:s16], [sflag:$0x1], $0x4000, $0x38;
	[tilespmem:$0x19480] =	vst v63  }
0x6e: {  	_ =	swait.ge [sflag:s17], $0x4000  }
0x6f: {  	[sflag:s17] =	ssyncset.done $0x0  }
0x70: {  	[sflag:s17] =	ssyncadd.s32 $0xFFFFC000  }
0x71: {  	[tilespmem:s16], [sflag:$0x1] =	stream.linear.gather [spmem:s13], $0x4000, $0x38;
	[tilespmem:$0x19480] =	vst v63  }
0x72: {  	s26 =	sadd.s32 $0x1, s26;
	_ =	swait.ge [sflag:s17], $0x4000  }
0x73: {  	p0 =	sne.s32 s26, s5;
	[sflag:s17] =	ssyncset.done $0x0  }
.Ltmp2:
0x74: {  	[sflag:s17] =	ssyncadd.s32 $0xFFFFC000;
	(pc) =	sbr.rel @p0 .LBB2_1-.Ltmp2, $4  }
0x75: {  	[hbm4b:s24+s3] =	stream.linear.scatter [tilespmem:s16], [sflag:$0x1], $0x4000, $0x38;
	[tilespmem:$0x19480] =	vst v63  }
0x76: {  	_ =	swait.ge [sflag:s17], $0x4000  }
0x77: {  	[sflag:s17] =	ssyncset.done $0x0  }
0x78: {  	[sflag:s17] =	ssyncadd.s32 $0xFFFFC000  }
0x79: {  	_ =	sfence.sel $0x180000  }
0x7a: {  	[bflag:$0x0] =	sbarrier.arrive $0xFFFF  }
0x7b: {  	p0 =	sne.s32 s1, $0x0;
	_ =	strace $0x9000004D  }
0x7c: {  	s0 =	sadd.s32 @!p0 $0x100000, s0;
	[bflag:$0x2] =	sbarrier.arrive $0xFFFF  }
0x7d: {  	[sflag:s0] =	ssyncadd.tile.s32 @!p0 $0x1;
	_ =	shalt  }
.Lfunc_end2:
_tile_overlayer_lowered:
.L_overlay_start_2:
0x7e: {  	(tag) =	ssettag $0x2  }
0x7f: {  	s0 =	rddreg [dreg:$0x0];
	s2 =	stileid.u32  }
0x80: {  	s1 =	rddreg [dreg:$0x1];
	p0 =	sne.s32 s2, $0x0  }
0x81: {  	s3 =	rddreg [dreg:$0x2];
	[bflag:$0x3] =	sbarrier.arrive $0xFFFF;
	s2 =	simm.s32 @!p0 $0x1C01  }
0x82: {  	[timem:s3], [sflag:s2] =	dma.local @!p0 [hbm:s0], s1  }
0x83: {  	s0 =	simm.s32 @!p0 $0x1  }
0x84: {  	_ =	swait.ge @!p0 [sflag:s0], s1  }
0x85: {  	s1 =	ssub.s32 @!p0 $0x0, s1;
	[sflag:s0] =	ssyncset.done @!p0 $0x0  }
0x86: {  	[sflag:s0] =	ssyncadd.s32 @!p0 s1  }
0x87: {  	[bflag:$0x3] =	sbarrier.arrive $0xFFFF  }
0x88: {  	_ =	shalt  }

// kernel: kernel.7.cloned.1.call-start
scs
__scs_entry_jumppad:
0x0: {  	(pc) =	sbr.rel $0x88, $3  }
0x1: {  	(tag) =	ssettag $0x0;
	lr =	simm.s32 $0x1  }
0x2: {  	[smem:$0x3F93] =	sst lr;
	_ =	strace $0xD0000000  }
0x3: {  	_ = 	snop  }
0x4: {  	_ = 	snop  }
0x5: {  	_ = 	snop  }
0x6: {  	_ = 	snop  }
0x7: {  	_ = 	snop  }
__scs_overlays_trampoline_lowered:
0x8: {  	[smem:$0x3FA2] =	sst s0  }
0x9: {  	[smem:$0x3FA3] =	sst s1  }
0xa: {  	[smem:$0x3FA4] =	sst s2  }
0xb: {  	[smem:$0x3FA5] =	sst s3  }
0xc: {  	[smem:$0x3FA6] =	sst s4  }
0xd: {  	[smem:$0x3FA7] =	sst s5  }
0xe: {  	[smem:$0x3FA8] =	sst s6  }
0xf: {  	[smem:$0x3FA9] =	sst s7  }
0x10: {  	[smem:$0x3FAA] =	sst s8  }
0x11: {  	[smem:$0x3FAB] =	sst s9;
	s0 =	simm.s32 @!p0 $0x0  }
0x12: {  	s1 =	sld [smem:$0x3F91];
	s0 =	simm.s32 @p0 $0x1  }
0x13: {  	[smem:$0x3FAC] =	sst s0;
	s0 =	simm.s32 @!p1 $0x0  }
0x14: {  	s2 =	sld [smem:$0x3F90];
	s0 =	simm.s32 @p1 $0x1  }
0x15: {  	[smem:$0x3FAD] =	sst s0;
	s0 =	simm.s32 @!p2 $0x0  }
0x16: {  	s3 =	sld [smem:$0x3FDB];
	s0 =	simm.s32 @p2 $0x1  }
0x17: {  	s4 =	simm.s32 $0x1BF5;
	[smem:$0x3FAF] =	sst s0  }
0x18: {  	s0 =	sld [smem:$0x3F92];
	_ =	swait.ge [sflag:s4], $0x0  }
0x19: {  	s7 =	sld [smem:$0x3F93]  }
0x1a: {  	s8 =	sadd.s32 $0xFFFFE003, lr  }
0x1b: {  	s9 =	sadd.s32 $0xFFFFFEF7, lr;
	s5 =	simm.s32 $0xFFFFFFFF;
	p2 =	slt.u32 s8, $0xFFFFF086  }
0x1c: {  	p1 =	slt.u32 s9, $0xF7A;
	s5 =	simm.s32 @!p2 $0x0  }
0x1d: {  	s5 =	simm.s32 @p1 $0x1;
	p0 =	seq.s32 s7, s2  }
0x1e: {  	s7 =	smul.u32 @!p0 $0xF7A, s2;
	p2 =	seq.s32 @!p0 s5, $0x0  }
0x1f: {  	s9 =	smul.u32 $0xF7A, s1;
	s8 =	simm.s32 @!p0 $0x1BF5;
	p2 =	por !p2, p0  }
0x20: {  	[sflag:s8] =	ssyncset.s32 @!p0 $0xFFFFF086;
	s6 =	sadd.s32 @!p0 s3, s7;
	s7 =	simm.s32 @!p0 $0x108  }
0x21: {  	s3 =	sadd.s32 s3, s9;
	s6 =	sadd.s32 @!p0 $0x88, s6;
	s7 =	simm.s32 @p2 $0x1082  }
0x22: {  	[simem:s7], [sflag:s8] =	dma.local @!p0 [hbm:s6], $0xF7A  }
0x23: {  	s9 =	sor.u32 $0xD0000000, s2;
	s6 =	simm.s32 $0x108;
	_ =	swait.ge @!p0 [sflag:s8], $0x0  }
0x24: {  	s3 =	sadd.s32 $0x88, s3;
	s6 =	simm.s32 @!p1 $0x1082;
	[sflag:s4] =	ssyncset.s32 $0xFFFFF086  }
0x25: {  	[simem:s6], [sflag:s4] =	dma.local [hbm:s3], $0xF7A  }
0x26: {  	[smem:$0x3F93] =	sst s1;
	(tag) =	ssettag s2;
	_ =	strace s9  }
0x27: {  	s1 =	sld [smem:$0x3FA3]  }
0x28: {  	s2 =	sld [smem:$0x3FA4]  }
0x29: {  	s4 =	sld [smem:$0x3FA6]  }
0x2a: {  	p0 =	seq.s32 s5, $0x0;
	s5 =	sld [smem:$0x3FA7]  }
0x2b: {  	s6 =	sld [smem:$0x3FA8]  }
0x2c: {  	s7 =	sld [smem:$0x3FA9]  }
0x2d: {  	s3 =	simm.s32 $0x108;
	s8 =	sld [smem:$0x3FAA]  }
0x2e: {  	s3 =	simm.s32 @!p0 $0x1082;
	s9 =	sld [smem:$0x3FAB]  }
0x2f: {  	lr =	sadd.s32 s0, s3;
	s0 =	sld [smem:$0x3FA2]  }
0x30: {  	s3 =	sld [smem:$0x3FA5]  }
0x31: {  	[smem:$0x3FAE] =	sst s10  }
0x32: {  	s10 =	sld [smem:$0x3FAC];
	_ =	sdelay $0x3  }
0x33: {  	p0 =	seq.s32 s10, $0x1;
	s10 =	sld [smem:$0x3FAE];
	_ =	sdelay $0x3  }
0x34: {  	[smem:$0x3FAE] =	sst s10  }
0x35: {  	s10 =	sld [smem:$0x3FAD];
	_ =	sdelay $0x3  }
0x36: {  	p1 =	seq.s32 s10, $0x1;
	s10 =	sld [smem:$0x3FAE];
	_ =	sdelay $0x3  }
0x37: {  	[smem:$0x3FAE] =	sst s10  }
0x38: {  	s10 =	sld [smem:$0x3FAF]  }
0x39: {  	_ = 	snop;
	(pc) =	sbr.ind lr, $3  }
0x3a: {  	_ = 	snop  }
0x3b: {  	_ = 	snop  }
0x3c: {  	p2 =	seq.s32 s10, $0x1;
	s10 =	sld [smem:$0x3FAE]  }
0x3d: {  	_ =	shalt  }
0x3e: {  	_ =	shalt  }
0x3f: {  	_ =	shalt  }
0x40: {  	_ =	shalt  }
0x41: {  	_ =	shalt  }
0x42: {  	_ =	shalt  }
0x43: {  	_ =	shalt  }
0x44: {  	_ =	shalt  }
0x45: {  	_ =	shalt  }
0x46: {  	_ =	shalt  }
0x47: {  	_ =	shalt  }
0x48: {  	_ =	shalt  }
0x49: {  	_ =	shalt  }
0x4a: {  	_ =	shalt  }
0x4b: {  	_ =	shalt  }
0x4c: {  	_ =	shalt  }
0x4d: {  	_ =	shalt  }
0x4e: {  	_ =	shalt  }
0x4f: {  	_ =	shalt  }
0x50: {  	_ =	shalt  }
0x51: {  	_ =	shalt  }
0x52: {  	_ =	shalt  }
0x53: {  	_ =	shalt  }
0x54: {  	_ =	shalt  }
0x55: {  	_ =	shalt  }
0x56: {  	_ =	shalt  }
0x57: {  	_ =	shalt  }
0x58: {  	_ =	shalt  }
0x59: {  	_ =	shalt  }
0x5a: {  	_ =	shalt  }
0x5b: {  	_ =	shalt  }
0x5c: {  	_ =	shalt  }
0x5d: {  	_ =	shalt  }
0x5e: {  	_ =	shalt  }
0x5f: {  	_ =	shalt  }
0x60: {  	_ =	shalt  }
0x61: {  	_ =	shalt  }
0x62: {  	_ =	shalt  }
0x63: {  	_ =	shalt  }
0x64: {  	_ =	shalt  }
0x65: {  	_ =	shalt  }
0x66: {  	_ =	shalt  }
0x67: {  	_ =	shalt  }
0x68: {  	_ =	shalt  }
0x69: {  	_ =	shalt  }
0x6a: {  	_ =	shalt  }
0x6b: {  	_ =	shalt  }
0x6c: {  	_ =	shalt  }
0x6d: {  	_ =	shalt  }
0x6e: {  	_ =	shalt  }
0x6f: {  	_ =	shalt  }
0x70: {  	_ =	shalt  }
0x71: {  	_ =	shalt  }
0x72: {  	_ =	shalt  }
0x73: {  	_ =	shalt  }
0x74: {  	_ =	shalt  }
0x75: {  	_ =	shalt  }
0x76: {  	_ =	shalt  }
0x77: {  	_ =	shalt  }
0x78: {  	_ =	shalt  }
0x79: {  	_ =	shalt  }
0x7a: {  	_ =	shalt  }
0x7b: {  	_ =	shalt  }
0x7c: {  	_ =	shalt  }
0x7d: {  	_ =	shalt  }
0x7e: {  	_ =	shalt  }
0x7f: {  	_ =	shalt  }
0x80: {  	_ =	shalt  }
0x81: {  	_ =	shalt  }
0x82: {  	_ =	shalt  }
0x83: {  	_ =	shalt  }
0x84: {  	_ =	shalt  }
0x85: {  	_ =	shalt  }
0x86: {  	_ =	shalt  }
0x87: {  	_ =	shalt  }
.Lfunc_end0:
.L_simem_size_0:
called_computation_lowered:
.L_overlay_start_0:
0x88: {  	s2 =	sld [smem:$0x3FD9]  }
0x89: {  	s3 =	sld [smem:$0x3FFE];
	_ =	sdelay $0x1  }
0x8a: {  	s1 =	srdreg.scid  }
0x8b: {  	s0 =	sand.u32 $0x1, s1  }
0x8c: {  	s17 =	sshll.u32 s0, $0xA;
	s2 =	sadd.s32 s3, s2  }
0x8d: {  	s2 =	sadd.s32 s2, s17  }
0x8e: {  	[smem:$0x3FBA] =	sst s2  }
0x8f: {  	_ = 	snop  }
0x90: {  	s2 =	sld [smem:$0x3FC9]  }
0x91: {  	s18 =	sld [smem:$0x3FD0];
	(tm) =	ssettm $0x1  }
0x92: {  	s4 =	sld [smem:$0x3FFB];
	_ =	sdelay $0x3  }
0x93: {  	_ =	strace s4  }
0x94: {  	s4 =	sld [smem:$0x3FFC];
	_ =	sdelay $0x3  }
0x95: {  	_ =	strace s4  }
0x96: {  	s4 =	sld [smem:$0x3FFD];
	_ =	sdelay $0x3  }
0x97: {  	_ =	strace s4  }
0x98: {  	_ =	strace $0x8FFFFFFF  }
0x99: {  	s19 =	sld [smem:$0x3FDB];
	_ =	sdelay $0x1  }
0x9a: {  	s5 =	simm.s32 $_scs_section_size  }
0x9b: {  	s6 =	simm.s32 $_size__tile_overlayer_lowered;
	s7 =	simm.s32 $_tile_overlayer_lowered  }
0x9c: {  	s22 =	simm.s32 $0x1BFF;
	s21 =	sshll.u32 s7, $0x1;
	s4 =	sadd.s32 s5, s19  }
0x9d: {  	s8 =	simm.s32 $0x0;
	s20 =	sshll.u32 s6, $0x1;
	s6 =	sadd.s32 s21, s4  }
0x9e: {  	[timem:s8], [sflag:s22] =	dma.local [hbm:s6], s20  }
0x9f: {  	_ =	swait.ge [sflag:s22], s20  }
0xa0: {  	s5 =	ssub.s32 $0x0, s20;
	[sflag:s22] =	ssyncset.done $0x0  }
0xa1: {  	[sflag:s22] =	ssyncadd.s32 s5;
	_ =	sdelay $0x1  }
0xa2: {  	s23 =	simm.s32 $0x1B8B  }
0xa3: {  	_ =	swait.ge [sflag:s23], $0x1  }
0xa4: {  	[sflag:s23] =	ssyncset.done $0x0  }
0xa5: {  	s25 =	simm.s32 $0x1B8E;
	s24 =	sld [smem:$0x3FFE];
	[sflag:s23] =	ssyncadd.s32 $0xFFFFFFFF  }
0xa6: {  	s26 =	simm.s32 $execute0_lowered;
	[smem:$0x3FD2] =	sst s25  }
0xa7: {  	s6 =	sshll.u32 s26, $0x1;
	_ =	strace $0x80000046;
	[dreg:$0x1] =	wrdreg $0xFFFFFFFF  }
0xa8: {  	s28 =	simm.s32 $_size_execute0_lowered;
	s4 =	sadd.s32 s4, s6;
	[dreg:$0x0] =	wrdreg $0x0  }
0xa9: {  	s6 =	sshll.u32 s28, $0x1;
	[dreg:$0x2] =	wrdreg s4  }
0xaa: {  	[dreg:$0x3] =	wrdreg s6  }
0xab: {  	[dreg:$0x4] =	wrdreg $0xC0  }
0xac: {  	_ =	task [dreg:s8], $0x5FFFF  }
0xad: {  	[dreg:$0x1] =	wrdreg $0xFFFFFFFF  }
0xae: {  	[dreg:$0x0] =	wrdreg $0x60  }
0xaf: {  	[dreg:$0x2] =	wrdreg s2  }
0xb0: {  	[dreg:$0x3] =	wrdreg s18  }
0xb1: {  	[dreg:$0x4] =	wrdreg s24  }
0xb2: {  	[dreg:$0x5] =	wrdreg $0x9  }
0xb3: {  	_ =	task.clear_ibuf [dreg:s8], $0x6FFFF;
	_ =	strace $0x90000046  }
0xb4: {  	s29 =	simm.s32 $0x9;
	_ =	strace $0x80000048  }
0xb5: {  	_ =	swait.ge [sflag:s29], $0x1  }
0xb6: {  	[sflag:s29] =	ssyncadd.s32 $0xFFFFFFFF  }
0xb7: {  	_ =	strace $0x90000048  }
0xb8: {  	_ =	sfence  }
0xb9: {  	s30 =	sld [smem:$0x0];
	_ =	sdelay $0x2  }
0xba: {  	s31 =	sshll.u32 s1, $0xD;
	s1 =	sshrl.u32 s1, $0x2  }
0xbb: {  	s3 =	sand.u32 $0x4000, s31;
	s1 =	sadd.s32 s1, s30  }
0xbc: {  	s0 =	sor.u32 s3, s0;
	s1 =	sshll.u32 s1, $0x11  }
0xbd: {  	s0 =	sor.u32 s1, s0  }
0xbe: {  	s0 =	sadd.s32 $0x8F2B, s0  }
0xbf: {  	[sflag:s0] =	ssyncadd.remote.s32 $0x1  }
0xc0: {  	_ =	sfence.sel $0xFFFF  }
0xc1: {  	[dreg:$0x0] =	wrdreg $0xFFFFFFFF;
	(pc) =	sbr.abs _section_cstart, $3  }
0xc2: {  	[dreg:$0x1] =	wrdreg $0xFFFFFFFF  }
0xc3: {  	_ =	task.clear_ibuf [dreg:s8], $0x2FFFF;
	_ =	strace $0x9FFFFFFF  }
0xc4: {  	(tm) =	ssettm $0x7FFFFFFF  }
0xc5: {  	_ =	shalt  }
tec
execute0_lowered:
.L_overlay_start_1:
0x0: {  	(tag) =	ssettag $0x1  }
0x1: {  	s1 =	rddreg [dreg:$0x0]  }
0x2: {  	s0 =	stileid.u32;
	s6 =	rddreg [dreg:$0x1]  }
0x3: {  	s2 =	srdreg.scid;
	s7 =	rddreg [dreg:$0x2]  }
0x4: {  	s3 =	simm.s32 $0x0;
	s11 =	simm.s32 $0x0;
	s4 =	smul.u32 $0x4E200, s0  }
0x5: {  	s5 =	sand.u32 $0x1, s2;
	s2 =	rddreg [dreg:$0x3];
	s9 =	smul.u32 $0x4E20, s0  }
0x6: {  	[smem:$0x7FF] =	sst s3;
	s8 =	smul.u32 $0x27100, s5;
	s10 =	ssub.s32 $0x2, s5  }
0x7: {  	s5 =	smul.u32 $0x2710, s5;
	s4 =	sadd.s32 s4, s7;
	s30 =	sshrl.u32 s10, $0x1  }
0x8: {  	_ =	strace $0x80000047;
	s7 =	ssub.s32 s10, s30;
	s8 =	sadd.s32 s8, s4  }
0x9: {  	s9 =	sadd.s32 s5, s9;
	s10 =	simm.s32 $0x1;
	s4 =	smax.u32 s7, $0x1  }
0xa: {  	s5 =	sadd.s32 $0x2800, s8;
	s31 =	sshrl.u32 s9, $0x3;
	s7 =	simm.s32 $0x2  }
0xb: {  	s8 =	simm.s32 $0x50;
	s9 =	simm.s32 $0x80;
	s6 =	sadd.s32 s31, s6  }
.LBB2_1:
0xc: {  	s12 =	sadd.s32 $0x0, s6  }
0xd: {  	[tilespmem:s3], [sflag:$0x2] =	stream.linear.gather [hbm4b:s12+s3], $0x50, $0x38;
	[tilespmem:$0x2880] =	vst v63  }
0xe: {  	_ =	swait.ge [sflag:s7], $0x50  }
0xf: {  	[sflag:s7] =	ssyncset.done $0x0  }
0x10: {  	[sflag:s7] =	ssyncadd.s32 $0xFFFFFFB0  }
0x11: {  	[tilespmem:s9], [sflag:$0x1] =	stream.indirect.gather [hbm4b:s1+s8], $0x80, s3, s8, $0xb8;
	[tilespmem:$0x2880] =	vst v63  }
0x12: {  	_ =	swait.ge [sflag:s10], $0x2800  }
0x13: {  	[sflag:s10] =	ssyncset.done $0x0  }
0x14: {  	[sflag:s10] =	ssyncadd.s32 $0xFFFFD800  }
0x15: {  	[hbm4b:s5+s3] =	stream.linear.scatter [tilespmem:s9], [sflag:$0x2], $0x2800, $0x38;
	[tilespmem:$0x2880] =	vst v63  }
0x16: {  	s13 =	simm.s32 $0xA;
	_ =	swait.ge [sflag:s7], $0x2800  }
0x17: {  	s14 =	simm.s32 $0x14;
	s12 =	sadd.s32 $0x500, s5;
	[sflag:s7] =	ssyncset.done $0x0  }
.LBB2_2:
0x18: {  	s15 =	sadd.s32 s13, s6  }
0x19: {  	[sflag:s7] =	ssyncadd.s32 $0xFFFFD800;
	s13 =	smov.u32 s14;
	s16 =	sadd.s32 $0xA, s14  }
0x1a: {  	[tilespmem:s3], [sflag:$0x2] =	stream.linear.gather [hbm4b:s15+s3], $0x50, $0x38;
	[tilespmem:$0x2880] =	vst v63  }
0x1b: {  	p0 =	sne.s32 s14, $0x4D8;
	_ =	swait.ge [sflag:s7], $0x50  }
0x1c: {  	[sflag:s7] =	ssyncset.done $0x0  }
0x1d: {  	[sflag:s7] =	ssyncadd.s32 $0xFFFFFFB0  }
0x1e: {  	[tilespmem:s9], [sflag:$0x1] =	stream.indirect.gather [hbm4b:s1+s8], $0x80, s3, s8, $0xb8;
	[tilespmem:$0x2880] =	vst v63  }
0x1f: {  	_ =	swait.ge [sflag:s10], $0x2800  }
.Ltmp0:
0x20: {  	[sflag:s10] =	ssyncset.done $0x0;
	(pc) =	sbr.rel @p0 .LBB2_2-.Ltmp0, $4  }
0x21: {  	[sflag:s10] =	ssyncadd.s32 $0xFFFFD800  }
0x22: {  	[hbm4b:s12+s3] =	stream.linear.scatter [tilespmem:s9], [sflag:$0x2], $0x2800, $0x38;
	[tilespmem:$0x2880] =	vst v63  }
0x23: {  	_ =	swait.ge [sflag:s7], $0x2800  }
0x24: {  	s14 =	smov.u32 s16;
	s12 =	sadd.s32 $0x500, s12;
	[sflag:s7] =	ssyncset.done $0x0  }
0x25: {  	s13 =	sadd.s32 s13, s6;
	[sflag:s7] =	ssyncadd.s32 $0xFFFFD800  }
0x26: {  	[tilespmem:s3], [sflag:$0x2] =	stream.linear.gather [hbm4b:s13+s3], $0x50, $0x38;
	[tilespmem:$0x2880] =	vst v63  }
0x27: {  	_ =	swait.ge [sflag:s7], $0x50  }
0x28: {  	[sflag:s7] =	ssyncset.done $0x0  }
0x29: {  	[sflag:s7] =	ssyncadd.s32 $0xFFFFFFB0  }
0x2a: {  	[tilespmem:s9], [sflag:$0x1] =	stream.indirect.gather [hbm4b:s1+s8], $0x80, s3, s8, $0xb8;
	[tilespmem:$0x2880] =	vst v63  }
0x2b: {  	s11 =	sadd.s32 $0x1, s11;
	_ =	swait.ge [sflag:s10], $0x2800  }
0x2c: {  	p0 =	sne.s32 s11, s4;
	[sflag:s10] =	ssyncset.done $0x0  }
.Ltmp1:
0x2d: {  	[sflag:s10] =	ssyncadd.s32 $0xFFFFD800;
	(pc) =	sbr.rel @p0 .LBB2_1-.Ltmp1, $4  }
0x2e: {  	[hbm4b:s12+s3] =	stream.linear.scatter [tilespmem:s9], [sflag:$0x2], $0x2800, $0x38;
	[tilespmem:$0x2880] =	vst v63  }
0x2f: {  	_ =	swait.ge [sflag:s7], $0x2800  }
0x30: {  	[sflag:s7] =	ssyncset.done $0x0  }
0x31: {  	[sflag:s7] =	ssyncadd.s32 $0xFFFFD800  }
0x32: {  	_ =	sfence.sel $0x180000  }
0x33: {  	[bflag:$0x0] =	sbarrier.arrive $0xFFFF  }
0x34: {  	p0 =	sne.s32 s0, $0x0;
	_ =	strace $0x90000047  }
0x35: {  	s0 =	sadd.s32 @!p0 $0x100000, s2;
	[bflag:$0x2] =	sbarrier.arrive $0xFFFF  }
0x36: {  	[sflag:s0] =	ssyncadd.tile.s32 @!p0 $0x1;
	_ =	shalt  }
.Lfunc_end2:
_tile_overlayer_lowered:
.L_overlay_start_2:
0x37: {  	(tag) =	ssettag $0x2  }
0x38: {  	s0 =	rddreg [dreg:$0x0];
	s2 =	stileid.u32  }
0x39: {  	s1 =	rddreg [dreg:$0x1];
	p0 =	sne.s32 s2, $0x0  }
0x3a: {  	s3 =	rddreg [dreg:$0x2];
	[bflag:$0x3] =	sbarrier.arrive $0xFFFF;
	s2 =	simm.s32 @!p0 $0x1C02  }
0x3b: {  	[timem:s3], [sflag:s2] =	dma.local @!p0 [hbm:s0], s1  }
0x3c: {  	s0 =	simm.s32 @!p0 $0x2  }
0x3d: {  	_ =	swait.ge @!p0 [sflag:s0], s1  }
0x3e: {  	s1 =	ssub.s32 @!p0 $0x0, s1;
	[sflag:s0] =	ssyncset.done @!p0 $0x0  }
0x3f: {  	[sflag:s0] =	ssyncadd.s32 @!p0 s1  }
0x40: {  	[bflag:$0x3] =	sbarrier.arrive $0xFFFF  }
0x41: {  	_ =	shalt  }

</sc_bundles>
